<compile_context>
chip_gen: v7x
topology: tpu7x:2x2x1
jax: 0.10.2.dev20260603
libtpu: 0.0.44.dev20260713+nightly
codegen_flags: <defaults>
</compile_context>

<pallas_src>
import dataclasses

import jax
import jax.numpy as jnp
from jax import lax
from jax.experimental import pallas as pl
from jax.experimental.pallas import tpu as pltpu
from jax.experimental.pallas import tpu_sc as plsc

B = 16384
EMB = 100000
D = 64
NEG = 5
NC = 2
NS = 16
NW = NC * NS
BPW = B // NW
CH = 128
NCH = BPW // CH
LANES = 16
NDOT = 1 + NEG

def _sc_scores_kernel(pos_u_hbm, pos_v_hbm, negt_hbm, u_w_hbm, v_w_hbm,
                      out_hbm, idxu_v, idxv_v, idxn_v, u_rows0, v_rows0,
                      n_rows0, u_rows1, v_rows1, n_rows1, out_v, sem0, sem1):
    wid = lax.axis_index("s") * NC + lax.axis_index("c")
    base = wid * BPW
    bufs = ((u_rows0, v_rows0, n_rows0, sem0),
            (u_rows1, v_rows1, n_rows1, sem1))

    pltpu.sync_copy(pos_u_hbm.at[pl.ds(base, BPW)], idxu_v)
    pltpu.sync_copy(pos_v_hbm.at[pl.ds(base, BPW)], idxv_v)
    for k in range(NEG):
        pltpu.sync_copy(negt_hbm.at[pl.ds(k * B + base, BPW)],
                        idxn_v.at[pl.ds(k * BPW, BPW)])

    def issue(c, slot):
        off = c * CH
        u_rows, v_rows, n_rows, sem = bufs[slot]
        cps = [
            pltpu.make_async_copy(
                u_w_hbm.at[idxu_v.at[pl.ds(off, CH)]], u_rows, sem),
            pltpu.make_async_copy(
                v_w_hbm.at[idxv_v.at[pl.ds(off, CH)]], v_rows, sem),
        ]
        for k in range(NEG):
            cps.append(pltpu.make_async_copy(
                v_w_hbm.at[idxn_v.at[pl.ds(k * BPW + off, CH)]],
                n_rows.at[pl.ds(k * CH, CH)], sem))
        for cp in cps:
            cp.start()
        return cps

    def compute(c, slot):
        off = c * CH
        u_rows, v_rows, n_rows, _ = bufs[slot]

        @pl.loop(0, CH)
        def _row(r):
            us = [u_rows[r, pl.ds(16 * i, LANES)] for i in range(D // LANES)]
            vs = [v_rows[r, pl.ds(16 * i, LANES)] for i in range(D // LANES)]
            obase = r * (NDOT * LANES)
            acc = us[0] * vs[0]
            for i in range(1, D // LANES):
                acc += us[i] * vs[i]
            out_v[pl.ds(obase, LANES)] = acc
            for k in range(NEG):
                nr = k * CH + r
                acc = us[0] * n_rows[nr, pl.ds(0, LANES)]
                for i in range(1, D // LANES):
                    acc += us[i] * n_rows[nr, pl.ds(16 * i, LANES)]
                out_v[pl.ds(obase + (1 + k) * LANES, LANES)] = acc

        pltpu.sync_copy(
            out_v,
            out_hbm.at[pl.ds((base + off) * (NDOT * LANES), CH * NDOT * LANES)])

    cps = issue(0, 0)
    for c in range(NCH):
        for cp in cps:
            cp.wait()
        if c + 1 < NCH:
            cps = issue(c + 1, (c + 1) % 2)
        compute(c, c % 2)


def _sc_scores(pos_u, pos_v, neg_t, u_weight, v_weight):
    mesh = plsc.VectorSubcoreMesh(core_axis_name="c", subcore_axis_name="s")
    cp = pltpu.CompilerParams(use_tc_tiling_on_sc=False)
    if "needs_layout_passes" in pltpu.CompilerParams.__dataclass_fields__:
        cp = dataclasses.replace(cp, needs_layout_passes=False)
    return pl.kernel(
        _sc_scores_kernel,
        out_type=jax.ShapeDtypeStruct((B * NDOT * LANES,), jnp.float32),
        mesh=mesh,
        scratch_types=[
            pltpu.VMEM((BPW,), jnp.int32),
            pltpu.VMEM((BPW,), jnp.int32),
            pltpu.VMEM((NEG * BPW,), jnp.int32),
            pltpu.VMEM((CH, D), jnp.float32),
            pltpu.VMEM((CH, D), jnp.float32),
            pltpu.VMEM((NEG * CH, D), jnp.float32),
            pltpu.VMEM((CH, D), jnp.float32),
            pltpu.VMEM((CH, D), jnp.float32),
            pltpu.VMEM((NEG * CH, D), jnp.float32),
            pltpu.VMEM((CH * NDOT * LANES,), jnp.float32),
            pltpu.SemaphoreType.DMA,
            pltpu.SemaphoreType.DMA,
        ],
        compiler_params=cp,
    )(pos_u, pos_v, neg_t, u_weight, v_weight)


def _tc_loss_kernel(p_ref, o_ref):
    x = p_ref[...]
    l = lax.broadcasted_iota(jnp.int32, (128, 8), 0)
    g = lax.broadcasted_iota(jnp.int32, (128, 8), 1)
    m = (l // LANES == g).astype(jnp.float32)
    s = jax.lax.dot(x, m, precision=jax.lax.Precision.DEFAULT,
                    preferred_element_type=jnp.float32)
    r = lax.broadcasted_iota(jnp.int32, s.shape, 0)
    c = lax.broadcasted_iota(jnp.int32, s.shape, 1)
    j = r * 8 + c
    sign = jnp.where(j % NDOT == 0, -1.0, 1.0)
    z = sign * jnp.clip(s, -10.0, 10.0)
    o_ref[0, 0] = jnp.sum(jnp.log1p(jnp.exp(z))) * (1.0 / B)


def _tc_loss(partials):
    out = pl.pallas_call(
        _tc_loss_kernel,
        out_shape=jax.ShapeDtypeStruct((1, 1), jnp.float32),
        out_specs=pl.BlockSpec(memory_space=pltpu.SMEM),
    )(partials.reshape(B * NDOT * LANES // 128, 128))
    return out[0, 0]


@jax.jit
def kernel(pos_u, pos_v, neg_v, u_weight, v_weight):
    pos_u = pos_u.astype(jnp.int32)
    pos_v = pos_v.astype(jnp.int32)
    neg_t = neg_v.astype(jnp.int32).T.reshape(-1)
    partials = _sc_scores(pos_u, pos_v, neg_t, u_weight, v_weight)
    return _tc_loss(partials)

# --- scband reference (transcript-rebuilt; emitter-appended) ---
"""Pipeline reference for scband-skip-gram-model-14972255994589 (READ-ONLY COPY).

The authoritative reference and input builder live on the scoring server;
editing this copy changes nothing except your own understanding.
"""

import jax, jax.numpy as jnp
import numpy as np

EMB_SIZE = 100000
EMB_DIM = 64
BATCH = 16384
NEG = 5


def setup_inputs(seed: int = 0) -> dict:
    key = jax.random.key(seed)
    k1, k2, k3, k4, k5 = jax.random.split(key, 5)
    pos_u = jax.random.randint(k1, (BATCH,), 0, EMB_SIZE, dtype=jnp.int64) if jax.config.jax_enable_x64 else jax.random.randint(k1, (BATCH,), 0, EMB_SIZE).astype(jnp.int32)
    pos_v = jax.random.randint(k2, (BATCH,), 0, EMB_SIZE).astype(pos_u.dtype)
    neg_v = jax.random.randint(k3, (BATCH, NEG), 0, EMB_SIZE).astype(pos_u.dtype)
    initrange = 1.0 / EMB_DIM
    # u_embeddings: uniform(-initrange, initrange); v_embeddings: small random
    # (module inits v to zero which is numerically degenerate; use small random for a meaningful test)
    u_weight = jax.random.uniform(k4, (EMB_SIZE, EMB_DIM), dtype=jnp.float32, minval=-initrange, maxval=initrange)
    v_weight = jax.random.uniform(k5, (EMB_SIZE, EMB_DIM), dtype=jnp.float32, minval=-initrange, maxval=initrange)
    return {"pos_u": pos_u, "pos_v": pos_v, "neg_v": neg_v, "u_weight": u_weight, "v_weight": v_weight}


def reference(pos_u, pos_v, neg_v, u_weight, v_weight):
    emb_u = jnp.take(u_weight, pos_u, axis=0)              # [B, D]
    emb_v = jnp.take(v_weight, pos_v, axis=0)              # [B, D]
    emb_neg_v = jnp.take(v_weight, neg_v, axis=0)          # [B, NEG, D]

    score = jnp.sum(emb_u * emb_v, axis=1)                 # [B]
    score = jnp.clip(score, -10.0, 10.0)
    score = -jax.nn.log_sigmoid(score)

    neg_score = jnp.einsum('bkd,bd->bk', emb_neg_v, emb_u) # [B, NEG]
    neg_score = jnp.clip(neg_score, -10.0, 10.0)
    neg_score = -jnp.sum(jax.nn.log_sigmoid(-neg_score), axis=1)

    return jnp.mean(score + neg_score)

if __name__ == "__main__":
    import jax
    _d = setup_inputs()
    print(jax.jit(kernel)(*tuple(_d.values())))

</pallas_src>

<mosaic_0001>
#map = affine_map<(d0, d1) -> (0)>
#map1 = affine_map<(d0, d1) -> (0, 0)>
module attributes {stable_mosaic.version = 14 : i64} {
  func.func @_sc_scores_kernel(%arg0: i32, %arg1: i32, %arg2: memref<16384xi32, #tpu.memory_space<hbm>>, %arg3: memref<16384xi32, #tpu.memory_space<hbm>>, %arg4: memref<81920xi32, #tpu.memory_space<hbm>>, %arg5: memref<100000x64xf32, #tpu.memory_space<hbm>>, %arg6: memref<100000x64xf32, #tpu.memory_space<hbm>>, %arg7: memref<1572864xf32, #tpu.memory_space<hbm>>, %arg8: memref<512xi32, #tpu.memory_space<vmem>>, %arg9: memref<512xi32, #tpu.memory_space<vmem>>, %arg10: memref<2560xi32, #tpu.memory_space<vmem>>, %arg11: memref<128x64xf32, #tpu.memory_space<vmem>>, %arg12: memref<128x64xf32, #tpu.memory_space<vmem>>, %arg13: memref<640x64xf32, #tpu.memory_space<vmem>>, %arg14: memref<128x64xf32, #tpu.memory_space<vmem>>, %arg15: memref<128x64xf32, #tpu.memory_space<vmem>>, %arg16: memref<640x64xf32, #tpu.memory_space<vmem>>, %arg17: memref<12288xf32, #tpu.memory_space<vmem>>, %arg18: memref<!tpu.dma_semaphore, #tpu.memory_space<semaphore_mem>>, %arg19: memref<!tpu.dma_semaphore, #tpu.memory_space<semaphore_mem>>) attributes {dimension_semantics = [#tpu.dimension_semantics<core_parallel>, #tpu.dimension_semantics<subcore_parallel>], iteration_bounds = array<i64: 2, 16>, scalar_prefetch = 0 : i64, scratch_operands = 12 : i64, tpu.core_type = #tpu.core_type<sc_vector_subcore>, window_params = [{transform_indices = #map}, {transform_indices = #map}, {transform_indices = #map}, {transform_indices = #map1}, {transform_indices = #map1}, {transform_indices = #map}]} {
    %mul3A = arith.constant 2 : i32
    %mul3A_0 = arith.muli %arg1, %mul3A : i32
    %add3A = arith.addi %mul3A_0, %arg0 : i32
    %mul3A_1 = arith.constant 512 : i32
    %mul3A_2 = arith.muli %add3A, %mul3A_1 : i32
    "tpu.region"() ({
      %run_scoped3A = tpu.sem_alloc : memref<!tpu.dma_semaphore, #tpu.memory_space<semaphore_mem>>
      %dma_start3A_446 = tpu.memref_slice %arg2[%mul3A_2] : memref<16384xi32, #tpu.memory_space<hbm>> -> memref<512xi32, #tpu.memory_space<hbm>>
      %dma_start3A_447 = tpu.memref_slice %arg2[%mul3A_2] : memref<16384xi32, #tpu.memory_space<hbm>> -> memref<512xi32, #tpu.memory_space<hbm>>
      tpu.enqueue_dma source(%dma_start3A_447 : memref<512xi32, #tpu.memory_space<hbm>>) target(%arg8 : memref<512xi32, #tpu.memory_space<vmem>>) target_semaphore(%run_scoped3A : memref<!tpu.dma_semaphore, #tpu.memory_space<semaphore_mem>>)
      %dma_wait3A_448 = tpu.memref_slice %arg2[%mul3A_2] : memref<16384xi32, #tpu.memory_space<hbm>> -> memref<512xi32, #tpu.memory_space<hbm>>
      %dma_wait3A_449 = tpu.memref_slice %arg2[%mul3A_2] : memref<16384xi32, #tpu.memory_space<hbm>> -> memref<512xi32, #tpu.memory_space<hbm>>
      tpu.wait_dma2 semaphore(%run_scoped3A : memref<!tpu.dma_semaphore, #tpu.memory_space<semaphore_mem>>) src(%dma_wait3A_449 : memref<512xi32, #tpu.memory_space<hbm>>) dst(%arg8 : memref<512xi32, #tpu.memory_space<vmem>>)
      tpu.yield
    }) : () -> ()
    "tpu.region"() ({
      %run_scoped3A = tpu.sem_alloc : memref<!tpu.dma_semaphore, #tpu.memory_space<semaphore_mem>>
      %dma_start3A_446 = tpu.memref_slice %arg3[%mul3A_2] : memref<16384xi32, #tpu.memory_space<hbm>> -> memref<512xi32, #tpu.memory_space<hbm>>
      %dma_start3A_447 = tpu.memref_slice %arg3[%mul3A_2] : memref<16384xi32, #tpu.memory_space<hbm>> -> memref<512xi32, #tpu.memory_space<hbm>>
      tpu.enqueue_dma source(%dma_start3A_447 : memref<512xi32, #tpu.memory_space<hbm>>) target(%arg9 : memref<512xi32, #tpu.memory_space<vmem>>) target_semaphore(%run_scoped3A : memref<!tpu.dma_semaphore, #tpu.memory_space<semaphore_mem>>)
      %dma_wait3A_448 = tpu.memref_slice %arg3[%mul3A_2] : memref<16384xi32, #tpu.memory_space<hbm>> -> memref<512xi32, #tpu.memory_space<hbm>>
      %dma_wait3A_449 = tpu.memref_slice %arg3[%mul3A_2] : memref<16384xi32, #tpu.memory_space<hbm>> -> memref<512xi32, #tpu.memory_space<hbm>>
      tpu.wait_dma2 semaphore(%run_scoped3A : memref<!tpu.dma_semaphore, #tpu.memory_space<semaphore_mem>>) src(%dma_wait3A_449 : memref<512xi32, #tpu.memory_space<hbm>>) dst(%arg9 : memref<512xi32, #tpu.memory_space<vmem>>)
      tpu.yield
    }) : () -> ()
    %add3A_3 = arith.constant 0 : i32
    %add3A_4 = arith.addi %add3A_3, %mul3A_2 : i32
    "tpu.region"() ({
      %run_scoped3A = tpu.sem_alloc : memref<!tpu.dma_semaphore, #tpu.memory_space<semaphore_mem>>
      %dma_start3A_446 = arith.constant 0 : i32
      %dma_start3A_447 = tpu.memref_slice %arg10[%dma_start3A_446] : memref<2560xi32, #tpu.memory_space<vmem>> -> memref<512xi32, #tpu.memory_space<vmem>>
      %dma_start3A_448 = tpu.memref_slice %arg4[%add3A_4] : memref<81920xi32, #tpu.memory_space<hbm>> -> memref<512xi32, #tpu.memory_space<hbm>>
      %dma_start3A_449 = arith.constant 0 : i32
      %dma_start3A_450 = tpu.memref_slice %arg10[%dma_start3A_449] : memref<2560xi32, #tpu.memory_space<vmem>> -> memref<512xi32, #tpu.memory_space<vmem>>
      %dma_start3A_451 = tpu.memref_slice %arg4[%add3A_4] : memref<81920xi32, #tpu.memory_space<hbm>> -> memref<512xi32, #tpu.memory_space<hbm>>
      tpu.enqueue_dma source(%dma_start3A_451 : memref<512xi32, #tpu.memory_space<hbm>>) target(%dma_start3A_450 : memref<512xi32, #tpu.memory_space<vmem>>) target_semaphore(%run_scoped3A : memref<!tpu.dma_semaphore, #tpu.memory_space<semaphore_mem>>)
      %dma_wait3A_452 = arith.constant 0 : i32
      %dma_wait3A_453 = tpu.memref_slice %arg10[%dma_wait3A_452] : memref<2560xi32, #tpu.memory_space<vmem>> -> memref<512xi32, #tpu.memory_space<vmem>>
      %dma_wait3A_454 = tpu.memref_slice %arg4[%add3A_4] : memref<81920xi32, #tpu.memory_space<hbm>> -> memref<512xi32, #tpu.memory_space<hbm>>
      %dma_wait3A_455 = arith.constant 0 : i32
      %dma_wait3A_456 = tpu.memref_slice %arg10[%dma_wait3A_455] : memref<2560xi32, #tpu.memory_space<vmem>> -> memref<512xi32, #tpu.memory_space<vmem>>
      %dma_wait3A_457 = tpu.memref_slice %arg4[%add3A_4] : memref<81920xi32, #tpu.memory_space<hbm>> -> memref<512xi32, #tpu.memory_space<hbm>>
      tpu.wait_dma2 semaphore(%run_scoped3A : memref<!tpu.dma_semaphore, #tpu.memory_space<semaphore_mem>>) src(%dma_wait3A_457 : memref<512xi32, #tpu.memory_space<hbm>>) dst(%dma_wait3A_456 : memref<512xi32, #tpu.memory_space<vmem>>)
      tpu.yield
    }) : () -> ()
    %add3A_5 = arith.constant 16384 : i32
    %add3A_6 = arith.addi %add3A_5, %mul3A_2 : i32
    "tpu.region"() ({
      %run_scoped3A = tpu.sem_alloc : memref<!tpu.dma_semaphore, #tpu.memory_space<semaphore_mem>>
      %dma_start3A_446 = arith.constant 512 : i32
      %dma_start3A_447 = tpu.memref_slice %arg10[%dma_start3A_446] : memref<2560xi32, #tpu.memory_space<vmem>> -> memref<512xi32, #tpu.memory_space<vmem>>
      %dma_start3A_448 = tpu.memref_slice %arg4[%add3A_6] : memref<81920xi32, #tpu.memory_space<hbm>> -> memref<512xi32, #tpu.memory_space<hbm>>
      %dma_start3A_449 = arith.constant 512 : i32
      %dma_start3A_450 = tpu.memref_slice %arg10[%dma_start3A_449] : memref<2560xi32, #tpu.memory_space<vmem>> -> memref<512xi32, #tpu.memory_space<vmem>>
      %dma_start3A_451 = tpu.memref_slice %arg4[%add3A_6] : memref<81920xi32, #tpu.memory_space<hbm>> -> memref<512xi32, #tpu.memory_space<hbm>>
      tpu.enqueue_dma source(%dma_start3A_451 : memref<512xi32, #tpu.memory_space<hbm>>) target(%dma_start3A_450 : memref<512xi32, #tpu.memory_space<vmem>>) target_semaphore(%run_scoped3A : memref<!tpu.dma_semaphore, #tpu.memory_space<semaphore_mem>>)
      %dma_wait3A_452 = arith.constant 512 : i32
      %dma_wait3A_453 = tpu.memref_slice %arg10[%dma_wait3A_452] : memref<2560xi32, #tpu.memory_space<vmem>> -> memref<512xi32, #tpu.memory_space<vmem>>
      %dma_wait3A_454 = tpu.memref_slice %arg4[%add3A_6] : memref<81920xi32, #tpu.memory_space<hbm>> -> memref<512xi32, #tpu.memory_space<hbm>>
      %dma_wait3A_455 = arith.constant 512 : i32
      %dma_wait3A_456 = tpu.memref_slice %arg10[%dma_wait3A_455] : memref<2560xi32, #tpu.memory_space<vmem>> -> memref<512xi32, #tpu.memory_space<vmem>>
      %dma_wait3A_457 = tpu.memref_slice %arg4[%add3A_6] : memref<81920xi32, #tpu.memory_space<hbm>> -> memref<512xi32, #tpu.memory_space<hbm>>
      tpu.wait_dma2 semaphore(%run_scoped3A : memref<!tpu.dma_semaphore, #tpu.memory_space<semaphore_mem>>) src(%dma_wait3A_457 : memref<512xi32, #tpu.memory_space<hbm>>) dst(%dma_wait3A_456 : memref<512xi32, #tpu.memory_space<vmem>>)
      tpu.yield
    }) : () -> ()
    %add3A_7 = arith.constant 32768 : i32
    %add3A_8 = arith.addi %add3A_7, %mul3A_2 : i32
    "tpu.region"() ({
      %run_scoped3A = tpu.sem_alloc : memref<!tpu.dma_semaphore, #tpu.memory_space<semaphore_mem>>
      %dma_start3A_446 = arith.constant 1024 : i32
      %dma_start3A_447 = tpu.memref_slice %arg10[%dma_start3A_446] : memref<2560xi32, #tpu.memory_space<vmem>> -> memref<512xi32, #tpu.memory_space<vmem>>
      %dma_start3A_448 = tpu.memref_slice %arg4[%add3A_8] : memref<81920xi32, #tpu.memory_space<hbm>> -> memref<512xi32, #tpu.memory_space<hbm>>
      %dma_start3A_449 = arith.constant 1024 : i32
      %dma_start3A_450 = tpu.memref_slice %arg10[%dma_start3A_449] : memref<2560xi32, #tpu.memory_space<vmem>> -> memref<512xi32, #tpu.memory_space<vmem>>
      %dma_start3A_451 = tpu.memref_slice %arg4[%add3A_8] : memref<81920xi32, #tpu.memory_space<hbm>> -> memref<512xi32, #tpu.memory_space<hbm>>
      tpu.enqueue_dma source(%dma_start3A_451 : memref<512xi32, #tpu.memory_space<hbm>>) target(%dma_start3A_450 : memref<512xi32, #tpu.memory_space<vmem>>) target_semaphore(%run_scoped3A : memref<!tpu.dma_semaphore, #tpu.memory_space<semaphore_mem>>)
      %dma_wait3A_452 = arith.constant 1024 : i32
      %dma_wait3A_453 = tpu.memref_slice %arg10[%dma_wait3A_452] : memref<2560xi32, #tpu.memory_space<vmem>> -> memref<512xi32, #tpu.memory_space<vmem>>
      %dma_wait3A_454 = tpu.memref_slice %arg4[%add3A_8] : memref<81920xi32, #tpu.memory_space<hbm>> -> memref<512xi32, #tpu.memory_space<hbm>>
      %dma_wait3A_455 = arith.constant 1024 : i32
      %dma_wait3A_456 = tpu.memref_slice %arg10[%dma_wait3A_455] : memref<2560xi32, #tpu.memory_space<vmem>> -> memref<512xi32, #tpu.memory_space<vmem>>
      %dma_wait3A_457 = tpu.memref_slice %arg4[%add3A_8] : memref<81920xi32, #tpu.memory_space<hbm>> -> memref<512xi32, #tpu.memory_space<hbm>>
      tpu.wait_dma2 semaphore(%run_scoped3A : memref<!tpu.dma_semaphore, #tpu.memory_space<semaphore_mem>>) src(%dma_wait3A_457 : memref<512xi32, #tpu.memory_space<hbm>>) dst(%dma_wait3A_456 : memref<512xi32, #tpu.memory_space<vmem>>)
      tpu.yield
    }) : () -> ()
    %add3A_9 = arith.constant 49152 : i32
    %add3A_10 = arith.addi %add3A_9, %mul3A_2 : i32
    "tpu.region"() ({
      %run_scoped3A = tpu.sem_alloc : memref<!tpu.dma_semaphore, #tpu.memory_space<semaphore_mem>>
      %dma_start3A_446 = arith.constant 1536 : i32
      %dma_start3A_447 = tpu.memref_slice %arg10[%dma_start3A_446] : memref<2560xi32, #tpu.memory_space<vmem>> -> memref<512xi32, #tpu.memory_space<vmem>>
      %dma_start3A_448 = tpu.memref_slice %arg4[%add3A_10] : memref<81920xi32, #tpu.memory_space<hbm>> -> memref<512xi32, #tpu.memory_space<hbm>>
      %dma_start3A_449 = arith.constant 1536 : i32
      %dma_start3A_450 = tpu.memref_slice %arg10[%dma_start3A_449] : memref<2560xi32, #tpu.memory_space<vmem>> -> memref<512xi32, #tpu.memory_space<vmem>>
      %dma_start3A_451 = tpu.memref_slice %arg4[%add3A_10] : memref<81920xi32, #tpu.memory_space<hbm>> -> memref<512xi32, #tpu.memory_space<hbm>>
      tpu.enqueue_dma source(%dma_start3A_451 : memref<512xi32, #tpu.memory_space<hbm>>) target(%dma_start3A_450 : memref<512xi32, #tpu.memory_space<vmem>>) target_semaphore(%run_scoped3A : memref<!tpu.dma_semaphore, #tpu.memory_space<semaphore_mem>>)
      %dma_wait3A_452 = arith.constant 1536 : i32
      %dma_wait3A_453 = tpu.memref_slice %arg10[%dma_wait3A_452] : memref<2560xi32, #tpu.memory_space<vmem>> -> memref<512xi32, #tpu.memory_space<vmem>>
      %dma_wait3A_454 = tpu.memref_slice %arg4[%add3A_10] : memref<81920xi32, #tpu.memory_space<hbm>> -> memref<512xi32, #tpu.memory_space<hbm>>
      %dma_wait3A_455 = arith.constant 1536 : i32
      %dma_wait3A_456 = tpu.memref_slice %arg10[%dma_wait3A_455] : memref<2560xi32, #tpu.memory_space<vmem>> -> memref<512xi32, #tpu.memory_space<vmem>>
      %dma_wait3A_457 = tpu.memref_slice %arg4[%add3A_10] : memref<81920xi32, #tpu.memory_space<hbm>> -> memref<512xi32, #tpu.memory_space<hbm>>
      tpu.wait_dma2 semaphore(%run_scoped3A : memref<!tpu.dma_semaphore, #tpu.memory_space<semaphore_mem>>) src(%dma_wait3A_457 : memref<512xi32, #tpu.memory_space<hbm>>) dst(%dma_wait3A_456 : memref<512xi32, #tpu.memory_space<vmem>>)
      tpu.yield
    }) : () -> ()
    %add3A_11 = arith.constant 65536 : i32
    %add3A_12 = arith.addi %add3A_11, %mul3A_2 : i32
    "tpu.region"() ({
      %run_scoped3A = tpu.sem_alloc : memref<!tpu.dma_semaphore, #tpu.memory_space<semaphore_mem>>
      %dma_start3A_446 = arith.constant 2048 : i32
      %dma_start3A_447 = tpu.memref_slice %arg10[%dma_start3A_446] : memref<2560xi32, #tpu.memory_space<vmem>> -> memref<512xi32, #tpu.memory_space<vmem>>
      %dma_start3A_448 = tpu.memref_slice %arg4[%add3A_12] : memref<81920xi32, #tpu.memory_space<hbm>> -> memref<512xi32, #tpu.memory_space<hbm>>
      %dma_start3A_449 = arith.constant 2048 : i32
      %dma_start3A_450 = tpu.memref_slice %arg10[%dma_start3A_449] : memref<2560xi32, #tpu.memory_space<vmem>> -> memref<512xi32, #tpu.memory_space<vmem>>
      %dma_start3A_451 = tpu.memref_slice %arg4[%add3A_12] : memref<81920xi32, #tpu.memory_space<hbm>> -> memref<512xi32, #tpu.memory_space<hbm>>
      tpu.enqueue_dma source(%dma_start3A_451 : memref<512xi32, #tpu.memory_space<hbm>>) target(%dma_start3A_450 : memref<512xi32, #tpu.memory_space<vmem>>) target_semaphore(%run_scoped3A : memref<!tpu.dma_semaphore, #tpu.memory_space<semaphore_mem>>)
      %dma_wait3A_452 = arith.constant 2048 : i32
      %dma_wait3A_453 = tpu.memref_slice %arg10[%dma_wait3A_452] : memref<2560xi32, #tpu.memory_space<vmem>> -> memref<512xi32, #tpu.memory_space<vmem>>
      %dma_wait3A_454 = tpu.memref_slice %arg4[%add3A_12] : memref<81920xi32, #tpu.memory_space<hbm>> -> memref<512xi32, #tpu.memory_space<hbm>>
      %dma_wait3A_455 = arith.constant 2048 : i32
      %dma_wait3A_456 = tpu.memref_slice %arg10[%dma_wait3A_455] : memref<2560xi32, #tpu.memory_space<vmem>> -> memref<512xi32, #tpu.memory_space<vmem>>
      %dma_wait3A_457 = tpu.memref_slice %arg4[%add3A_12] : memref<81920xi32, #tpu.memory_space<hbm>> -> memref<512xi32, #tpu.memory_space<hbm>>
      tpu.wait_dma2 semaphore(%run_scoped3A : memref<!tpu.dma_semaphore, #tpu.memory_space<semaphore_mem>>) src(%dma_wait3A_457 : memref<512xi32, #tpu.memory_space<hbm>>) dst(%dma_wait3A_456 : memref<512xi32, #tpu.memory_space<vmem>>)
      tpu.yield
    }) : () -> ()
    %dma_start3A = arith.constant 0 : i32
    %dma_start3A_13 = tpu.memref_slice %arg8[%dma_start3A] : memref<512xi32, #tpu.memory_space<vmem>> -> memref<128xi32, #tpu.memory_space<vmem>>
    %dma_start3A_14 = arith.constant 0 : i32
    %dma_start3A_15 = arith.constant 0 : i32
    %dma_start3A_16 = tpu.memref_slice %arg5[%dma_start3A_14, %dma_start3A_15] : memref<100000x64xf32, #tpu.memory_space<hbm>> -> memref<100000x64xf32, #tpu.memory_space<hbm>>
    tpu.enqueue_indirect_dma source(%dma_start3A_16 : memref<100000x64xf32, #tpu.memory_space<hbm>>) target(%arg11 : memref<128x64xf32, #tpu.memory_space<vmem>>) offsets(%dma_start3A_13 : memref<128xi32, #tpu.memory_space<vmem>>) semaphore(%arg18 : memref<!tpu.dma_semaphore, #tpu.memory_space<semaphore_mem>>)
    %dma_start3A_17 = arith.constant 0 : i32
    %dma_start3A_18 = tpu.memref_slice %arg9[%dma_start3A_17] : memref<512xi32, #tpu.memory_space<vmem>> -> memref<128xi32, #tpu.memory_space<vmem>>
    %dma_start3A_19 = arith.constant 0 : i32
    %dma_start3A_20 = arith.constant 0 : i32
    %dma_start3A_21 = tpu.memref_slice %arg6[%dma_start3A_19, %dma_start3A_20] : memref<100000x64xf32, #tpu.memory_space<hbm>> -> memref<100000x64xf32, #tpu.memory_space<hbm>>
    tpu.enqueue_indirect_dma source(%dma_start3A_21 : memref<100000x64xf32, #tpu.memory_space<hbm>>) target(%arg12 : memref<128x64xf32, #tpu.memory_space<vmem>>) offsets(%dma_start3A_18 : memref<128xi32, #tpu.memory_space<vmem>>) semaphore(%arg18 : memref<!tpu.dma_semaphore, #tpu.memory_space<semaphore_mem>>)
    %dma_start3A_22 = arith.constant 0 : i32
    %dma_start3A_23 = arith.constant 0 : i32
    %dma_start3A_24 = tpu.memref_slice %arg13[%dma_start3A_22, %dma_start3A_23] : memref<640x64xf32, #tpu.memory_space<vmem>> -> memref<128x64xf32, #tpu.memory_space<vmem>>
    %dma_start3A_25 = arith.constant 0 : i32
    %dma_start3A_26 = tpu.memref_slice %arg10[%dma_start3A_25] : memref<2560xi32, #tpu.memory_space<vmem>> -> memref<128xi32, #tpu.memory_space<vmem>>
    %dma_start3A_27 = arith.constant 0 : i32
    %dma_start3A_28 = arith.constant 0 : i32
    %dma_start3A_29 = tpu.memref_slice %arg6[%dma_start3A_27, %dma_start3A_28] : memref<100000x64xf32, #tpu.memory_space<hbm>> -> memref<100000x64xf32, #tpu.memory_space<hbm>>
    tpu.enqueue_indirect_dma source(%dma_start3A_29 : memref<100000x64xf32, #tpu.memory_space<hbm>>) target(%dma_start3A_24 : memref<128x64xf32, #tpu.memory_space<vmem>>) offsets(%dma_start3A_26 : memref<128xi32, #tpu.memory_space<vmem>>) semaphore(%arg18 : memref<!tpu.dma_semaphore, #tpu.memory_space<semaphore_mem>>)
    %dma_start3A_30 = arith.constant 128 : i32
    %dma_start3A_31 = arith.constant 0 : i32
    %dma_start3A_32 = tpu.memref_slice %arg13[%dma_start3A_30, %dma_start3A_31] : memref<640x64xf32, #tpu.memory_space<vmem>> -> memref<128x64xf32, #tpu.memory_space<vmem>>
    %dma_start3A_33 = arith.constant 512 : i32
    %dma_start3A_34 = tpu.memref_slice %arg10[%dma_start3A_33] : memref<2560xi32, #tpu.memory_space<vmem>> -> memref<128xi32, #tpu.memory_space<vmem>>
    %dma_start3A_35 = arith.constant 0 : i32
    %dma_start3A_36 = arith.constant 0 : i32
    %dma_start3A_37 = tpu.memref_slice %arg6[%dma_start3A_35, %dma_start3A_36] : memref<100000x64xf32, #tpu.memory_space<hbm>> -> memref<100000x64xf32, #tpu.memory_space<hbm>>
    tpu.enqueue_indirect_dma source(%dma_start3A_37 : memref<100000x64xf32, #tpu.memory_space<hbm>>) target(%dma_start3A_32 : memref<128x64xf32, #tpu.memory_space<vmem>>) offsets(%dma_start3A_34 : memref<128xi32, #tpu.memory_space<vmem>>) semaphore(%arg18 : memref<!tpu.dma_semaphore, #tpu.memory_space<semaphore_mem>>)
    %dma_start3A_38 = arith.constant 256 : i32
    %dma_start3A_39 = arith.constant 0 : i32
    %dma_start3A_40 = tpu.memref_slice %arg13[%dma_start3A_38, %dma_start3A_39] : memref<640x64xf32, #tpu.memory_space<vmem>> -> memref<128x64xf32, #tpu.memory_space<vmem>>
    %dma_start3A_41 = arith.constant 1024 : i32
    %dma_start3A_42 = tpu.memref_slice %arg10[%dma_start3A_41] : memref<2560xi32, #tpu.memory_space<vmem>> -> memref<128xi32, #tpu.memory_space<vmem>>
    %dma_start3A_43 = arith.constant 0 : i32
    %dma_start3A_44 = arith.constant 0 : i32
    %dma_start3A_45 = tpu.memref_slice %arg6[%dma_start3A_43, %dma_start3A_44] : memref<100000x64xf32, #tpu.memory_space<hbm>> -> memref<100000x64xf32, #tpu.memory_space<hbm>>
    tpu.enqueue_indirect_dma source(%dma_start3A_45 : memref<100000x64xf32, #tpu.memory_space<hbm>>) target(%dma_start3A_40 : memref<128x64xf32, #tpu.memory_space<vmem>>) offsets(%dma_start3A_42 : memref<128xi32, #tpu.memory_space<vmem>>) semaphore(%arg18 : memref<!tpu.dma_semaphore, #tpu.memory_space<semaphore_mem>>)
    %dma_start3A_46 = arith.constant 384 : i32
    %dma_start3A_47 = arith.constant 0 : i32
    %dma_start3A_48 = tpu.memref_slice %arg13[%dma_start3A_46, %dma_start3A_47] : memref<640x64xf32, #tpu.memory_space<vmem>> -> memref<128x64xf32, #tpu.memory_space<vmem>>
    %dma_start3A_49 = arith.constant 1536 : i32
    %dma_start3A_50 = tpu.memref_slice %arg10[%dma_start3A_49] : memref<2560xi32, #tpu.memory_space<vmem>> -> memref<128xi32, #tpu.memory_space<vmem>>
    %dma_start3A_51 = arith.constant 0 : i32
    %dma_start3A_52 = arith.constant 0 : i32
    %dma_start3A_53 = tpu.memref_slice %arg6[%dma_start3A_51, %dma_start3A_52] : memref<100000x64xf32, #tpu.memory_space<hbm>> -> memref<100000x64xf32, #tpu.memory_space<hbm>>
    tpu.enqueue_indirect_dma source(%dma_start3A_53 : memref<100000x64xf32, #tpu.memory_space<hbm>>) target(%dma_start3A_48 : memref<128x64xf32, #tpu.memory_space<vmem>>) offsets(%dma_start3A_50 : memref<128xi32, #tpu.memory_space<vmem>>) semaphore(%arg18 : memref<!tpu.dma_semaphore, #tpu.memory_space<semaphore_mem>>)
    %dma_start3A_54 = arith.constant 512 : i32
    %dma_start3A_55 = arith.constant 0 : i32
    %dma_start3A_56 = tpu.memref_slice %arg13[%dma_start3A_54, %dma_start3A_55] : memref<640x64xf32, #tpu.memory_space<vmem>> -> memref<128x64xf32, #tpu.memory_space<vmem>>
    %dma_start3A_57 = arith.constant 2048 : i32
    %dma_start3A_58 = tpu.memref_slice %arg10[%dma_start3A_57] : memref<2560xi32, #tpu.memory_space<vmem>> -> memref<128xi32, #tpu.memory_space<vmem>>
    %dma_start3A_59 = arith.constant 0 : i32
    %dma_start3A_60 = arith.constant 0 : i32
    %dma_start3A_61 = tpu.memref_slice %arg6[%dma_start3A_59, %dma_start3A_60] : memref<100000x64xf32, #tpu.memory_space<hbm>> -> memref<100000x64xf32, #tpu.memory_space<hbm>>
    tpu.enqueue_indirect_dma source(%dma_start3A_61 : memref<100000x64xf32, #tpu.memory_space<hbm>>) target(%dma_start3A_56 : memref<128x64xf32, #tpu.memory_space<vmem>>) offsets(%dma_start3A_58 : memref<128xi32, #tpu.memory_space<vmem>>) semaphore(%arg18 : memref<!tpu.dma_semaphore, #tpu.memory_space<semaphore_mem>>)
    %dma_wait3A = arith.constant 0 : i32
    %dma_wait3A_62 = tpu.memref_slice %arg8[%dma_wait3A] : memref<512xi32, #tpu.memory_space<vmem>> -> memref<128xi32, #tpu.memory_space<vmem>>
    %dma_wait3A_63 = arith.constant 0 : i32
    %dma_wait3A_64 = arith.constant 0 : i32
    %dma_wait3A_65 = tpu.memref_slice %arg5[%dma_wait3A_63, %dma_wait3A_64] : memref<100000x64xf32, #tpu.memory_space<hbm>> -> memref<100000x64xf32, #tpu.memory_space<hbm>>
    tpu.wait_indirect_dma semaphore(%arg18 : memref<!tpu.dma_semaphore, #tpu.memory_space<semaphore_mem>>) src(%dma_wait3A_65 : memref<100000x64xf32, #tpu.memory_space<hbm>>) dst(%arg11 : memref<128x64xf32, #tpu.memory_space<vmem>>)
    %dma_wait3A_66 = arith.constant 0 : i32
    %dma_wait3A_67 = tpu.memref_slice %arg9[%dma_wait3A_66] : memref<512xi32, #tpu.memory_space<vmem>> -> memref<128xi32, #tpu.memory_space<vmem>>
    %dma_wait3A_68 = arith.constant 0 : i32
    %dma_wait3A_69 = arith.constant 0 : i32
    %dma_wait3A_70 = tpu.memref_slice %arg6[%dma_wait3A_68, %dma_wait3A_69] : memref<100000x64xf32, #tpu.memory_space<hbm>> -> memref<100000x64xf32, #tpu.memory_space<hbm>>
    tpu.wait_indirect_dma semaphore(%arg18 : memref<!tpu.dma_semaphore, #tpu.memory_space<semaphore_mem>>) src(%dma_wait3A_70 : memref<100000x64xf32, #tpu.memory_space<hbm>>) dst(%arg12 : memref<128x64xf32, #tpu.memory_space<vmem>>)
    %dma_wait3A_71 = arith.constant 0 : i32
    %dma_wait3A_72 = arith.constant 0 : i32
    %dma_wait3A_73 = tpu.memref_slice %arg13[%dma_wait3A_71, %dma_wait3A_72] : memref<640x64xf32, #tpu.memory_space<vmem>> -> memref<128x64xf32, #tpu.memory_space<vmem>>
    %dma_wait3A_74 = arith.constant 0 : i32
    %dma_wait3A_75 = tpu.memref_slice %arg10[%dma_wait3A_74] : memref<2560xi32, #tpu.memory_space<vmem>> -> memref<128xi32, #tpu.memory_space<vmem>>
    %dma_wait3A_76 = arith.constant 0 : i32
    %dma_wait3A_77 = arith.constant 0 : i32
    %dma_wait3A_78 = tpu.memref_slice %arg6[%dma_wait3A_76, %dma_wait3A_77] : memref<100000x64xf32, #tpu.memory_space<hbm>> -> memref<100000x64xf32, #tpu.memory_space<hbm>>
    tpu.wait_indirect_dma semaphore(%arg18 : memref<!tpu.dma_semaphore, #tpu.memory_space<semaphore_mem>>) src(%dma_wait3A_78 : memref<100000x64xf32, #tpu.memory_space<hbm>>) dst(%dma_wait3A_73 : memref<128x64xf32, #tpu.memory_space<vmem>>)
    %dma_wait3A_79 = arith.constant 128 : i32
    %dma_wait3A_80 = arith.constant 0 : i32
    %dma_wait3A_81 = tpu.memref_slice %arg13[%dma_wait3A_79, %dma_wait3A_80] : memref<640x64xf32, #tpu.memory_space<vmem>> -> memref<128x64xf32, #tpu.memory_space<vmem>>
    %dma_wait3A_82 = arith.constant 512 : i32
    %dma_wait3A_83 = tpu.memref_slice %arg10[%dma_wait3A_82] : memref<2560xi32, #tpu.memory_space<vmem>> -> memref<128xi32, #tpu.memory_space<vmem>>
    %dma_wait3A_84 = arith.constant 0 : i32
    %dma_wait3A_85 = arith.constant 0 : i32
    %dma_wait3A_86 = tpu.memref_slice %arg6[%dma_wait3A_84, %dma_wait3A_85] : memref<100000x64xf32, #tpu.memory_space<hbm>> -> memref<100000x64xf32, #tpu.memory_space<hbm>>
    tpu.wait_indirect_dma semaphore(%arg18 : memref<!tpu.dma_semaphore, #tpu.memory_space<semaphore_mem>>) src(%dma_wait3A_86 : memref<100000x64xf32, #tpu.memory_space<hbm>>) dst(%dma_wait3A_81 : memref<128x64xf32, #tpu.memory_space<vmem>>)
    %dma_wait3A_87 = arith.constant 256 : i32
    %dma_wait3A_88 = arith.constant 0 : i32
    %dma_wait3A_89 = tpu.memref_slice %arg13[%dma_wait3A_87, %dma_wait3A_88] : memref<640x64xf32, #tpu.memory_space<vmem>> -> memref<128x64xf32, #tpu.memory_space<vmem>>
    %dma_wait3A_90 = arith.constant 1024 : i32
    %dma_wait3A_91 = tpu.memref_slice %arg10[%dma_wait3A_90] : memref<2560xi32, #tpu.memory_space<vmem>> -> memref<128xi32, #tpu.memory_space<vmem>>
    %dma_wait3A_92 = arith.constant 0 : i32
    %dma_wait3A_93 = arith.constant 0 : i32
    %dma_wait3A_94 = tpu.memref_slice %arg6[%dma_wait3A_92, %dma_wait3A_93] : memref<100000x64xf32, #tpu.memory_space<hbm>> -> memref<100000x64xf32, #tpu.memory_space<hbm>>
    tpu.wait_indirect_dma semaphore(%arg18 : memref<!tpu.dma_semaphore, #tpu.memory_space<semaphore_mem>>) src(%dma_wait3A_94 : memref<100000x64xf32, #tpu.memory_space<hbm>>) dst(%dma_wait3A_89 : memref<128x64xf32, #tpu.memory_space<vmem>>)
    %dma_wait3A_95 = arith.constant 384 : i32
    %dma_wait3A_96 = arith.constant 0 : i32
    %dma_wait3A_97 = tpu.memref_slice %arg13[%dma_wait3A_95, %dma_wait3A_96] : memref<640x64xf32, #tpu.memory_space<vmem>> -> memref<128x64xf32, #tpu.memory_space<vmem>>
    %dma_wait3A_98 = arith.constant 1536 : i32
    %dma_wait3A_99 = tpu.memref_slice %arg10[%dma_wait3A_98] : memref<2560xi32, #tpu.memory_space<vmem>> -> memref<128xi32, #tpu.memory_space<vmem>>
    %dma_wait3A_100 = arith.constant 0 : i32
    %dma_wait3A_101 = arith.constant 0 : i32
    %dma_wait3A_102 = tpu.memref_slice %arg6[%dma_wait3A_100, %dma_wait3A_101] : memref<100000x64xf32, #tpu.memory_space<hbm>> -> memref<100000x64xf32, #tpu.memory_space<hbm>>
    tpu.wait_indirect_dma semaphore(%arg18 : memref<!tpu.dma_semaphore, #tpu.memory_space<semaphore_mem>>) src(%dma_wait3A_102 : memref<100000x64xf32, #tpu.memory_space<hbm>>) dst(%dma_wait3A_97 : memref<128x64xf32, #tpu.memory_space<vmem>>)
    %dma_wait3A_103 = arith.constant 512 : i32
    %dma_wait3A_104 = arith.constant 0 : i32
    %dma_wait3A_105 = tpu.memref_slice %arg13[%dma_wait3A_103, %dma_wait3A_104] : memref<640x64xf32, #tpu.memory_space<vmem>> -> memref<128x64xf32, #tpu.memory_space<vmem>>
    %dma_wait3A_106 = arith.constant 2048 : i32
    %dma_wait3A_107 = tpu.memref_slice %arg10[%dma_wait3A_106] : memref<2560xi32, #tpu.memory_space<vmem>> -> memref<128xi32, #tpu.memory_space<vmem>>
    %dma_wait3A_108 = arith.constant 0 : i32
    %dma_wait3A_109 = arith.constant 0 : i32
    %dma_wait3A_110 = tpu.memref_slice %arg6[%dma_wait3A_108, %dma_wait3A_109] : memref<100000x64xf32, #tpu.memory_space<hbm>> -> memref<100000x64xf32, #tpu.memory_space<hbm>>
    tpu.wait_indirect_dma semaphore(%arg18 : memref<!tpu.dma_semaphore, #tpu.memory_space<semaphore_mem>>) src(%dma_wait3A_110 : memref<100000x64xf32, #tpu.memory_space<hbm>>) dst(%dma_wait3A_105 : memref<128x64xf32, #tpu.memory_space<vmem>>)
    %dma_start3A_111 = arith.constant 128 : i32
    %dma_start3A_112 = tpu.memref_slice %arg8[%dma_start3A_111] : memref<512xi32, #tpu.memory_space<vmem>> -> memref<128xi32, #tpu.memory_space<vmem>>
    %dma_start3A_113 = arith.constant 0 : i32
    %dma_start3A_114 = arith.constant 0 : i32
    %dma_start3A_115 = tpu.memref_slice %arg5[%dma_start3A_113, %dma_start3A_114] : memref<100000x64xf32, #tpu.memory_space<hbm>> -> memref<100000x64xf32, #tpu.memory_space<hbm>>
    tpu.enqueue_indirect_dma source(%dma_start3A_115 : memref<100000x64xf32, #tpu.memory_space<hbm>>) target(%arg14 : memref<128x64xf32, #tpu.memory_space<vmem>>) offsets(%dma_start3A_112 : memref<128xi32, #tpu.memory_space<vmem>>) semaphore(%arg19 : memref<!tpu.dma_semaphore, #tpu.memory_space<semaphore_mem>>)
    %dma_start3A_116 = arith.constant 128 : i32
    %dma_start3A_117 = tpu.memref_slice %arg9[%dma_start3A_116] : memref<512xi32, #tpu.memory_space<vmem>> -> memref<128xi32, #tpu.memory_space<vmem>>
    %dma_start3A_118 = arith.constant 0 : i32
    %dma_start3A_119 = arith.constant 0 : i32
    %dma_start3A_120 = tpu.memref_slice %arg6[%dma_start3A_118, %dma_start3A_119] : memref<100000x64xf32, #tpu.memory_space<hbm>> -> memref<100000x64xf32, #tpu.memory_space<hbm>>
    tpu.enqueue_indirect_dma source(%dma_start3A_120 : memref<100000x64xf32, #tpu.memory_space<hbm>>) target(%arg15 : memref<128x64xf32, #tpu.memory_space<vmem>>) offsets(%dma_start3A_117 : memref<128xi32, #tpu.memory_space<vmem>>) semaphore(%arg19 : memref<!tpu.dma_semaphore, #tpu.memory_space<semaphore_mem>>)
    %dma_start3A_121 = arith.constant 0 : i32
    %dma_start3A_122 = arith.constant 0 : i32
    %dma_start3A_123 = tpu.memref_slice %arg16[%dma_start3A_121, %dma_start3A_122] : memref<640x64xf32, #tpu.memory_space<vmem>> -> memref<128x64xf32, #tpu.memory_space<vmem>>
    %dma_start3A_124 = arith.constant 128 : i32
    %dma_start3A_125 = tpu.memref_slice %arg10[%dma_start3A_124] : memref<2560xi32, #tpu.memory_space<vmem>> -> memref<128xi32, #tpu.memory_space<vmem>>
    %dma_start3A_126 = arith.constant 0 : i32
    %dma_start3A_127 = arith.constant 0 : i32
    %dma_start3A_128 = tpu.memref_slice %arg6[%dma_start3A_126, %dma_start3A_127] : memref<100000x64xf32, #tpu.memory_space<hbm>> -> memref<100000x64xf32, #tpu.memory_space<hbm>>
    tpu.enqueue_indirect_dma source(%dma_start3A_128 : memref<100000x64xf32, #tpu.memory_space<hbm>>) target(%dma_start3A_123 : memref<128x64xf32, #tpu.memory_space<vmem>>) offsets(%dma_start3A_125 : memref<128xi32, #tpu.memory_space<vmem>>) semaphore(%arg19 : memref<!tpu.dma_semaphore, #tpu.memory_space<semaphore_mem>>)
    %dma_start3A_129 = arith.constant 128 : i32
    %dma_start3A_130 = arith.constant 0 : i32
    %dma_start3A_131 = tpu.memref_slice %arg16[%dma_start3A_129, %dma_start3A_130] : memref<640x64xf32, #tpu.memory_space<vmem>> -> memref<128x64xf32, #tpu.memory_space<vmem>>
    %dma_start3A_132 = arith.constant 640 : i32
    %dma_start3A_133 = tpu.memref_slice %arg10[%dma_start3A_132] : memref<2560xi32, #tpu.memory_space<vmem>> -> memref<128xi32, #tpu.memory_space<vmem>>
    %dma_start3A_134 = arith.constant 0 : i32
    %dma_start3A_135 = arith.constant 0 : i32
    %dma_start3A_136 = tpu.memref_slice %arg6[%dma_start3A_134, %dma_start3A_135] : memref<100000x64xf32, #tpu.memory_space<hbm>> -> memref<100000x64xf32, #tpu.memory_space<hbm>>
    tpu.enqueue_indirect_dma source(%dma_start3A_136 : memref<100000x64xf32, #tpu.memory_space<hbm>>) target(%dma_start3A_131 : memref<128x64xf32, #tpu.memory_space<vmem>>) offsets(%dma_start3A_133 : memref<128xi32, #tpu.memory_space<vmem>>) semaphore(%arg19 : memref<!tpu.dma_semaphore, #tpu.memory_space<semaphore_mem>>)
    %dma_start3A_137 = arith.constant 256 : i32
    %dma_start3A_138 = arith.constant 0 : i32
    %dma_start3A_139 = tpu.memref_slice %arg16[%dma_start3A_137, %dma_start3A_138] : memref<640x64xf32, #tpu.memory_space<vmem>> -> memref<128x64xf32, #tpu.memory_space<vmem>>
    %dma_start3A_140 = arith.constant 1152 : i32
    %dma_start3A_141 = tpu.memref_slice %arg10[%dma_start3A_140] : memref<2560xi32, #tpu.memory_space<vmem>> -> memref<128xi32, #tpu.memory_space<vmem>>
    %dma_start3A_142 = arith.constant 0 : i32
    %dma_start3A_143 = arith.constant 0 : i32
    %dma_start3A_144 = tpu.memref_slice %arg6[%dma_start3A_142, %dma_start3A_143] : memref<100000x64xf32, #tpu.memory_space<hbm>> -> memref<100000x64xf32, #tpu.memory_space<hbm>>
    tpu.enqueue_indirect_dma source(%dma_start3A_144 : memref<100000x64xf32, #tpu.memory_space<hbm>>) target(%dma_start3A_139 : memref<128x64xf32, #tpu.memory_space<vmem>>) offsets(%dma_start3A_141 : memref<128xi32, #tpu.memory_space<vmem>>) semaphore(%arg19 : memref<!tpu.dma_semaphore, #tpu.memory_space<semaphore_mem>>)
    %dma_start3A_145 = arith.constant 384 : i32
    %dma_start3A_146 = arith.constant 0 : i32
    %dma_start3A_147 = tpu.memref_slice %arg16[%dma_start3A_145, %dma_start3A_146] : memref<640x64xf32, #tpu.memory_space<vmem>> -> memref<128x64xf32, #tpu.memory_space<vmem>>
    %dma_start3A_148 = arith.constant 1664 : i32
    %dma_start3A_149 = tpu.memref_slice %arg10[%dma_start3A_148] : memref<2560xi32, #tpu.memory_space<vmem>> -> memref<128xi32, #tpu.memory_space<vmem>>
    %dma_start3A_150 = arith.constant 0 : i32
    %dma_start3A_151 = arith.constant 0 : i32
    %dma_start3A_152 = tpu.memref_slice %arg6[%dma_start3A_150, %dma_start3A_151] : memref<100000x64xf32, #tpu.memory_space<hbm>> -> memref<100000x64xf32, #tpu.memory_space<hbm>>
    tpu.enqueue_indirect_dma source(%dma_start3A_152 : memref<100000x64xf32, #tpu.memory_space<hbm>>) target(%dma_start3A_147 : memref<128x64xf32, #tpu.memory_space<vmem>>) offsets(%dma_start3A_149 : memref<128xi32, #tpu.memory_space<vmem>>) semaphore(%arg19 : memref<!tpu.dma_semaphore, #tpu.memory_space<semaphore_mem>>)
    %dma_start3A_153 = arith.constant 512 : i32
    %dma_start3A_154 = arith.constant 0 : i32
    %dma_start3A_155 = tpu.memref_slice %arg16[%dma_start3A_153, %dma_start3A_154] : memref<640x64xf32, #tpu.memory_space<vmem>> -> memref<128x64xf32, #tpu.memory_space<vmem>>
    %dma_start3A_156 = arith.constant 2176 : i32
    %dma_start3A_157 = tpu.memref_slice %arg10[%dma_start3A_156] : memref<2560xi32, #tpu.memory_space<vmem>> -> memref<128xi32, #tpu.memory_space<vmem>>
    %dma_start3A_158 = arith.constant 0 : i32
    %dma_start3A_159 = arith.constant 0 : i32
    %dma_start3A_160 = tpu.memref_slice %arg6[%dma_start3A_158, %dma_start3A_159] : memref<100000x64xf32, #tpu.memory_space<hbm>> -> memref<100000x64xf32, #tpu.memory_space<hbm>>
    tpu.enqueue_indirect_dma source(%dma_start3A_160 : memref<100000x64xf32, #tpu.memory_space<hbm>>) target(%dma_start3A_155 : memref<128x64xf32, #tpu.memory_space<vmem>>) offsets(%dma_start3A_157 : memref<128xi32, #tpu.memory_space<vmem>>) semaphore(%arg19 : memref<!tpu.dma_semaphore, #tpu.memory_space<semaphore_mem>>)
    %scan3A = arith.constant 0 : i32
    %scan3A_161 = arith.constant 128 : i32
    %scan3A_162 = arith.addi %scan3A, %scan3A_161 : i32
    %scan3A_163 = arith.constant 1 : i32
    scf.for %scan3A_446 = %scan3A to %scan3A_162 step %scan3A_163  : i32 {
      %mul3A_447 = arith.constant 1 : i32
      %mul3A_448 = arith.muli %scan3A_446, %mul3A_447 : i32
      %add3A_449 = arith.constant 0 : i32
      %add3A_450 = arith.addi %add3A_449, %mul3A_448 : i32
      %get3A = arith.index_cast %add3A_450 : i32 to index
      %get3A_451 = arith.constant 0 : index
      %get3A_452 = tpu.vector_load %arg11[%get3A, %get3A_451] {strides = array<i32>} : memref<128x64xf32, #tpu.memory_space<vmem>>, vector<16xf32>,
      %get3A_453 = arith.index_cast %add3A_450 : i32 to index
      %get3A_454 = arith.constant 16 : index
      %get3A_455 = tpu.vector_load %arg11[%get3A_453, %get3A_454] {strides = array<i32>} : memref<128x64xf32, #tpu.memory_space<vmem>>, vector<16xf32>,
      %get3A_456 = arith.index_cast %add3A_450 : i32 to index
      %get3A_457 = arith.constant 32 : index
      %get3A_458 = tpu.vector_load %arg11[%get3A_456, %get3A_457] {strides = array<i32>} : memref<128x64xf32, #tpu.memory_space<vmem>>, vector<16xf32>,
      %get3A_459 = arith.index_cast %add3A_450 : i32 to index
      %get3A_460 = arith.constant 48 : index
      %get3A_461 = tpu.vector_load %arg11[%get3A_459, %get3A_460] {strides = array<i32>} : memref<128x64xf32, #tpu.memory_space<vmem>>, vector<16xf32>,
      %get3A_462 = arith.index_cast %add3A_450 : i32 to index
      %get3A_463 = arith.constant 0 : index
      %get3A_464 = tpu.vector_load %arg12[%get3A_462, %get3A_463] {strides = array<i32>} : memref<128x64xf32, #tpu.memory_space<vmem>>, vector<16xf32>,
      %get3A_465 = arith.index_cast %add3A_450 : i32 to index
      %get3A_466 = arith.constant 16 : index
      %get3A_467 = tpu.vector_load %arg12[%get3A_465, %get3A_466] {strides = array<i32>} : memref<128x64xf32, #tpu.memory_space<vmem>>, vector<16xf32>,
      %get3A_468 = arith.index_cast %add3A_450 : i32 to index
      %get3A_469 = arith.constant 32 : index
      %get3A_470 = tpu.vector_load %arg12[%get3A_468, %get3A_469] {strides = array<i32>} : memref<128x64xf32, #tpu.memory_space<vmem>>, vector<16xf32>,
      %get3A_471 = arith.index_cast %add3A_450 : i32 to index
      %get3A_472 = arith.constant 48 : index
      %get3A_473 = tpu.vector_load %arg12[%get3A_471, %get3A_472] {strides = array<i32>} : memref<128x64xf32, #tpu.memory_space<vmem>>, vector<16xf32>,
      %mul3A_474 = arith.constant 96 : i32
      %mul3A_475 = arith.muli %add3A_450, %mul3A_474 : i32
      %mul3A_476 = arith.mulf %get3A_452, %get3A_464 : vector<16xf32>
      %mul3A_477 = arith.mulf %get3A_455, %get3A_467 : vector<16xf32>
      %add3A_478 = arith.addf %mul3A_476, %mul3A_477 : vector<16xf32>
      %mul3A_479 = arith.mulf %get3A_458, %get3A_470 : vector<16xf32>
      %add3A_480 = arith.addf %add3A_478, %mul3A_479 : vector<16xf32>
      %mul3A_481 = arith.mulf %get3A_461, %get3A_473 : vector<16xf32>
      %add3A_482 = arith.addf %add3A_480, %mul3A_481 : vector<16xf32>
      %swap3A = arith.index_cast %mul3A_475 : i32 to index
      %swap3A_483 = tpu.vector_load %arg17[%swap3A] {strides = array<i32>} : memref<12288xf32, #tpu.memory_space<vmem>>, vector<16xf32>,
      tpu.vector_store %arg17[%swap3A], %add3A_482 {strides = array<i32>} : memref<12288xf32, #tpu.memory_space<vmem>>, vector<16xf32>,
      %add3A_484 = arith.constant 0 : i32
      %add3A_485 = arith.addi %add3A_484, %add3A_450 : i32
      %get3A_486 = arith.index_cast %add3A_485 : i32 to index
      %get3A_487 = arith.constant 0 : index
      %get3A_488 = tpu.vector_load %arg13[%get3A_486, %get3A_487] {strides = array<i32>} : memref<640x64xf32, #tpu.memory_space<vmem>>, vector<16xf32>,
      %mul3A_489 = arith.mulf %get3A_452, %get3A_488 : vector<16xf32>
      %get3A_490 = arith.index_cast %add3A_485 : i32 to index
      %get3A_491 = arith.constant 16 : index
      %get3A_492 = tpu.vector_load %arg13[%get3A_490, %get3A_491] {strides = array<i32>} : memref<640x64xf32, #tpu.memory_space<vmem>>, vector<16xf32>,
      %mul3A_493 = arith.mulf %get3A_455, %get3A_492 : vector<16xf32>
      %add3A_494 = arith.addf %mul3A_489, %mul3A_493 : vector<16xf32>
      %get3A_495 = arith.index_cast %add3A_485 : i32 to index
      %get3A_496 = arith.constant 32 : index
      %get3A_497 = tpu.vector_load %arg13[%get3A_495, %get3A_496] {strides = array<i32>} : memref<640x64xf32, #tpu.memory_space<vmem>>, vector<16xf32>,
      %mul3A_498 = arith.mulf %get3A_458, %get3A_497 : vector<16xf32>
      %add3A_499 = arith.addf %add3A_494, %mul3A_498 : vector<16xf32>
      %get3A_500 = arith.index_cast %add3A_485 : i32 to index
      %get3A_501 = arith.constant 48 : index
      %get3A_502 = tpu.vector_load %arg13[%get3A_500, %get3A_501] {strides = array<i32>} : memref<640x64xf32, #tpu.memory_space<vmem>>, vector<16xf32>,
      %mul3A_503 = arith.mulf %get3A_461, %get3A_502 : vector<16xf32>
      %add3A_504 = arith.addf %add3A_499, %mul3A_503 : vector<16xf32>
      %add3A_505 = arith.constant 16 : i32
      %add3A_506 = arith.addi %mul3A_475, %add3A_505 : i32
      %swap3A_507 = arith.index_cast %add3A_506 : i32 to index
      %swap3A_508 = tpu.vector_load %arg17[%swap3A_507] {strides = array<i32>} : memref<12288xf32, #tpu.memory_space<vmem>>, vector<16xf32>,
      tpu.vector_store %arg17[%swap3A_507], %add3A_504 {strides = array<i32>} : memref<12288xf32, #tpu.memory_space<vmem>>, vector<16xf32>,
      %add3A_509 = arith.constant 128 : i32
      %add3A_510 = arith.addi %add3A_509, %add3A_450 : i32
      %get3A_511 = arith.index_cast %add3A_510 : i32 to index
      %get3A_512 = arith.constant 0 : index
      %get3A_513 = tpu.vector_load %arg13[%get3A_511, %get3A_512] {strides = array<i32>} : memref<640x64xf32, #tpu.memory_space<vmem>>, vector<16xf32>,
      %mul3A_514 = arith.mulf %get3A_452, %get3A_513 : vector<16xf32>
      %get3A_515 = arith.index_cast %add3A_510 : i32 to index
      %get3A_516 = arith.constant 16 : index
      %get3A_517 = tpu.vector_load %arg13[%get3A_515, %get3A_516] {strides = array<i32>} : memref<640x64xf32, #tpu.memory_space<vmem>>, vector<16xf32>,
      %mul3A_518 = arith.mulf %get3A_455, %get3A_517 : vector<16xf32>
      %add3A_519 = arith.addf %mul3A_514, %mul3A_518 : vector<16xf32>
      %get3A_520 = arith.index_cast %add3A_510 : i32 to index
      %get3A_521 = arith.constant 32 : index
      %get3A_522 = tpu.vector_load %arg13[%get3A_520, %get3A_521] {strides = array<i32>} : memref<640x64xf32, #tpu.memory_space<vmem>>, vector<16xf32>,
      %mul3A_523 = arith.mulf %get3A_458, %get3A_522 : vector<16xf32>
      %add3A_524 = arith.addf %add3A_519, %mul3A_523 : vector<16xf32>
      %get3A_525 = arith.index_cast %add3A_510 : i32 to index
      %get3A_526 = arith.constant 48 : index
      %get3A_527 = tpu.vector_load %arg13[%get3A_525, %get3A_526] {strides = array<i32>} : memref<640x64xf32, #tpu.memory_space<vmem>>, vector<16xf32>,
      %mul3A_528 = arith.mulf %get3A_461, %get3A_527 : vector<16xf32>
      %add3A_529 = arith.addf %add3A_524, %mul3A_528 : vector<16xf32>
      %add3A_530 = arith.constant 32 : i32
      %add3A_531 = arith.addi %mul3A_475, %add3A_530 : i32
      %swap3A_532 = arith.index_cast %add3A_531 : i32 to index
      %swap3A_533 = tpu.vector_load %arg17[%swap3A_532] {strides = array<i32>} : memref<12288xf32, #tpu.memory_space<vmem>>, vector<16xf32>,
      tpu.vector_store %arg17[%swap3A_532], %add3A_529 {strides = array<i32>} : memref<12288xf32, #tpu.memory_space<vmem>>, vector<16xf32>,
      %add3A_534 = arith.constant 256 : i32
      %add3A_535 = arith.addi %add3A_534, %add3A_450 : i32
      %get3A_536 = arith.index_cast %add3A_535 : i32 to index
      %get3A_537 = arith.constant 0 : index
      %get3A_538 = tpu.vector_load %arg13[%get3A_536, %get3A_537] {strides = array<i32>} : memref<640x64xf32, #tpu.memory_space<vmem>>, vector<16xf32>,
      %mul3A_539 = arith.mulf %get3A_452, %get3A_538 : vector<16xf32>
      %get3A_540 = arith.index_cast %add3A_535 : i32 to index
      %get3A_541 = arith.constant 16 : index
      %get3A_542 = tpu.vector_load %arg13[%get3A_540, %get3A_541] {strides = array<i32>} : memref<640x64xf32, #tpu.memory_space<vmem>>, vector<16xf32>,
      %mul3A_543 = arith.mulf %get3A_455, %get3A_542 : vector<16xf32>
      %add3A_544 = arith.addf %mul3A_539, %mul3A_543 : vector<16xf32>
      %get3A_545 = arith.index_cast %add3A_535 : i32 to index
      %get3A_546 = arith.constant 32 : index
      %get3A_547 = tpu.vector_load %arg13[%get3A_545, %get3A_546] {strides = array<i32>} : memref<640x64xf32, #tpu.memory_space<vmem>>, vector<16xf32>,
      %mul3A_548 = arith.mulf %get3A_458, %get3A_547 : vector<16xf32>
      %add3A_549 = arith.addf %add3A_544, %mul3A_548 : vector<16xf32>
      %get3A_550 = arith.index_cast %add3A_535 : i32 to index
      %get3A_551 = arith.constant 48 : index
      %get3A_552 = tpu.vector_load %arg13[%get3A_550, %get3A_551] {strides = array<i32>} : memref<640x64xf32, #tpu.memory_space<vmem>>, vector<16xf32>,
      %mul3A_553 = arith.mulf %get3A_461, %get3A_552 : vector<16xf32>
      %add3A_554 = arith.addf %add3A_549, %mul3A_553 : vector<16xf32>
      %add3A_555 = arith.constant 48 : i32
      %add3A_556 = arith.addi %mul3A_475, %add3A_555 : i32
      %swap3A_557 = arith.index_cast %add3A_556 : i32 to index
      %swap3A_558 = tpu.vector_load %arg17[%swap3A_557] {strides = array<i32>} : memref<12288xf32, #tpu.memory_space<vmem>>, vector<16xf32>,
      tpu.vector_store %arg17[%swap3A_557], %add3A_554 {strides = array<i32>} : memref<12288xf32, #tpu.memory_space<vmem>>, vector<16xf32>,
      %add3A_559 = arith.constant 384 : i32
      %add3A_560 = arith.addi %add3A_559, %add3A_450 : i32
      %get3A_561 = arith.index_cast %add3A_560 : i32 to index
      %get3A_562 = arith.constant 0 : index
      %get3A_563 = tpu.vector_load %arg13[%get3A_561, %get3A_562] {strides = array<i32>} : memref<640x64xf32, #tpu.memory_space<vmem>>, vector<16xf32>,
      %mul3A_564 = arith.mulf %get3A_452, %get3A_563 : vector<16xf32>
      %get3A_565 = arith.index_cast %add3A_560 : i32 to index
      %get3A_566 = arith.constant 16 : index
      %get3A_567 = tpu.vector_load %arg13[%get3A_565, %get3A_566] {strides = array<i32>} : memref<640x64xf32, #tpu.memory_space<vmem>>, vector<16xf32>,
      %mul3A_568 = arith.mulf %get3A_455, %get3A_567 : vector<16xf32>
      %add3A_569 = arith.addf %mul3A_564, %mul3A_568 : vector<16xf32>
      %get3A_570 = arith.index_cast %add3A_560 : i32 to index
      %get3A_571 = arith.constant 32 : index
      %get3A_572 = tpu.vector_load %arg13[%get3A_570, %get3A_571] {strides = array<i32>} : memref<640x64xf32, #tpu.memory_space<vmem>>, vector<16xf32>,
      %mul3A_573 = arith.mulf %get3A_458, %get3A_572 : vector<16xf32>
      %add3A_574 = arith.addf %add3A_569, %mul3A_573 : vector<16xf32>
      %get3A_575 = arith.index_cast %add3A_560 : i32 to index
      %get3A_576 = arith.constant 48 : index
      %get3A_577 = tpu.vector_load %arg13[%get3A_575, %get3A_576] {strides = array<i32>} : memref<640x64xf32, #tpu.memory_space<vmem>>, vector<16xf32>,
      %mul3A_578 = arith.mulf %get3A_461, %get3A_577 : vector<16xf32>
      %add3A_579 = arith.addf %add3A_574, %mul3A_578 : vector<16xf32>
      %add3A_580 = arith.constant 64 : i32
      %add3A_581 = arith.addi %mul3A_475, %add3A_580 : i32
      %swap3A_582 = arith.index_cast %add3A_581 : i32 to index
      %swap3A_583 = tpu.vector_load %arg17[%swap3A_582] {strides = array<i32>} : memref<12288xf32, #tpu.memory_space<vmem>>, vector<16xf32>,
      tpu.vector_store %arg17[%swap3A_582], %add3A_579 {strides = array<i32>} : memref<12288xf32, #tpu.memory_space<vmem>>, vector<16xf32>,
      %add3A_584 = arith.constant 512 : i32
      %add3A_585 = arith.addi %add3A_584, %add3A_450 : i32
      %get3A_586 = arith.index_cast %add3A_585 : i32 to index
      %get3A_587 = arith.constant 0 : index
      %get3A_588 = tpu.vector_load %arg13[%get3A_586, %get3A_587] {strides = array<i32>} : memref<640x64xf32, #tpu.memory_space<vmem>>, vector<16xf32>,
      %mul3A_589 = arith.mulf %get3A_452, %get3A_588 : vector<16xf32>
      %get3A_590 = arith.index_cast %add3A_585 : i32 to index
      %get3A_591 = arith.constant 16 : index
      %get3A_592 = tpu.vector_load %arg13[%get3A_590, %get3A_591] {strides = array<i32>} : memref<640x64xf32, #tpu.memory_space<vmem>>, vector<16xf32>,
      %mul3A_593 = arith.mulf %get3A_455, %get3A_592 : vector<16xf32>
      %add3A_594 = arith.addf %mul3A_589, %mul3A_593 : vector<16xf32>
      %get3A_595 = arith.index_cast %add3A_585 : i32 to index
      %get3A_596 = arith.constant 32 : index
      %get3A_597 = tpu.vector_load %arg13[%get3A_595, %get3A_596] {strides = array<i32>} : memref<640x64xf32, #tpu.memory_space<vmem>>, vector<16xf32>,
      %mul3A_598 = arith.mulf %get3A_458, %get3A_597 : vector<16xf32>
      %add3A_599 = arith.addf %add3A_594, %mul3A_598 : vector<16xf32>
      %get3A_600 = arith.index_cast %add3A_585 : i32 to index
      %get3A_601 = arith.constant 48 : index
      %get3A_602 = tpu.vector_load %arg13[%get3A_600, %get3A_601] {strides = array<i32>} : memref<640x64xf32, #tpu.memory_space<vmem>>, vector<16xf32>,
      %mul3A_603 = arith.mulf %get3A_461, %get3A_602 : vector<16xf32>
      %add3A_604 = arith.addf %add3A_599, %mul3A_603 : vector<16xf32>
      %add3A_605 = arith.constant 80 : i32
      %add3A_606 = arith.addi %mul3A_475, %add3A_605 : i32
      %swap3A_607 = arith.index_cast %add3A_606 : i32 to index
      %swap3A_608 = tpu.vector_load %arg17[%swap3A_607] {strides = array<i32>} : memref<12288xf32, #tpu.memory_space<vmem>>, vector<16xf32>,
      tpu.vector_store %arg17[%swap3A_607], %add3A_604 {strides = array<i32>} : memref<12288xf32, #tpu.memory_space<vmem>>, vector<16xf32>,
    }
    %scan3A_164 = arith.constant 128 : i32
    %add3A_165 = arith.constant 0 : i32
    %add3A_166 = arith.addi %mul3A_2, %add3A_165 : i32
    %mul3A_167 = arith.constant 96 : i32
    %mul3A_168 = arith.muli %add3A_166, %mul3A_167 : i32
    "tpu.region"() ({
      %run_scoped3A = tpu.sem_alloc : memref<!tpu.dma_semaphore, #tpu.memory_space<semaphore_mem>>
      %dma_start3A_446 = tpu.memref_slice %arg7[%mul3A_168] : memref<1572864xf32, #tpu.memory_space<hbm>> -> memref<12288xf32, #tpu.memory_space<hbm>>
      %dma_start3A_447 = tpu.memref_slice %arg7[%mul3A_168] : memref<1572864xf32, #tpu.memory_space<hbm>> -> memref<12288xf32, #tpu.memory_space<hbm>>
      tpu.enqueue_dma source(%arg17 : memref<12288xf32, #tpu.memory_space<vmem>>) target(%dma_start3A_447 : memref<12288xf32, #tpu.memory_space<hbm>>) target_semaphore(%run_scoped3A : memref<!tpu.dma_semaphore, #tpu.memory_space<semaphore_mem>>)
      %dma_wait3A_448 = tpu.memref_slice %arg7[%mul3A_168] : memref<1572864xf32, #tpu.memory_space<hbm>> -> memref<12288xf32, #tpu.memory_space<hbm>>
      %dma_wait3A_449 = tpu.memref_slice %arg7[%mul3A_168] : memref<1572864xf32, #tpu.memory_space<hbm>> -> memref<12288xf32, #tpu.memory_space<hbm>>
      tpu.wait_dma2 semaphore(%run_scoped3A : memref<!tpu.dma_semaphore, #tpu.memory_space<semaphore_mem>>) src(%arg17 : memref<12288xf32, #tpu.memory_space<vmem>>) dst(%dma_wait3A_449 : memref<12288xf32, #tpu.memory_space<hbm>>)
      tpu.yield
    }) : () -> ()
    %dma_wait3A_169 = arith.constant 128 : i32
    %dma_wait3A_170 = tpu.memref_slice %arg8[%dma_wait3A_169] : memref<512xi32, #tpu.memory_space<vmem>> -> memref<128xi32, #tpu.memory_space<vmem>>
    %dma_wait3A_171 = arith.constant 0 : i32
    %dma_wait3A_172 = arith.constant 0 : i32
    %dma_wait3A_173 = tpu.memref_slice %arg5[%dma_wait3A_171, %dma_wait3A_172] : memref<100000x64xf32, #tpu.memory_space<hbm>> -> memref<100000x64xf32, #tpu.memory_space<hbm>>
    tpu.wait_indirect_dma semaphore(%arg19 : memref<!tpu.dma_semaphore, #tpu.memory_space<semaphore_mem>>) src(%dma_wait3A_173 : memref<100000x64xf32, #tpu.memory_space<hbm>>) dst(%arg14 : memref<128x64xf32, #tpu.memory_space<vmem>>)
    %dma_wait3A_174 = arith.constant 128 : i32
    %dma_wait3A_175 = tpu.memref_slice %arg9[%dma_wait3A_174] : memref<512xi32, #tpu.memory_space<vmem>> -> memref<128xi32, #tpu.memory_space<vmem>>
    %dma_wait3A_176 = arith.constant 0 : i32
    %dma_wait3A_177 = arith.constant 0 : i32
    %dma_wait3A_178 = tpu.memref_slice %arg6[%dma_wait3A_176, %dma_wait3A_177] : memref<100000x64xf32, #tpu.memory_space<hbm>> -> memref<100000x64xf32, #tpu.memory_space<hbm>>
    tpu.wait_indirect_dma semaphore(%arg19 : memref<!tpu.dma_semaphore, #tpu.memory_space<semaphore_mem>>) src(%dma_wait3A_178 : memref<100000x64xf32, #tpu.memory_space<hbm>>) dst(%arg15 : memref<128x64xf32, #tpu.memory_space<vmem>>)
    %dma_wait3A_179 = arith.constant 0 : i32
    %dma_wait3A_180 = arith.constant 0 : i32
    %dma_wait3A_181 = tpu.memref_slice %arg16[%dma_wait3A_179, %dma_wait3A_180] : memref<640x64xf32, #tpu.memory_space<vmem>> -> memref<128x64xf32, #tpu.memory_space<vmem>>
    %dma_wait3A_182 = arith.constant 128 : i32
    %dma_wait3A_183 = tpu.memref_slice %arg10[%dma_wait3A_182] : memref<2560xi32, #tpu.memory_space<vmem>> -> memref<128xi32, #tpu.memory_space<vmem>>
    %dma_wait3A_184 = arith.constant 0 : i32
    %dma_wait3A_185 = arith.constant 0 : i32
    %dma_wait3A_186 = tpu.memref_slice %arg6[%dma_wait3A_184, %dma_wait3A_185] : memref<100000x64xf32, #tpu.memory_space<hbm>> -> memref<100000x64xf32, #tpu.memory_space<hbm>>
    tpu.wait_indirect_dma semaphore(%arg19 : memref<!tpu.dma_semaphore, #tpu.memory_space<semaphore_mem>>) src(%dma_wait3A_186 : memref<100000x64xf32, #tpu.memory_space<hbm>>) dst(%dma_wait3A_181 : memref<128x64xf32, #tpu.memory_space<vmem>>)
    %dma_wait3A_187 = arith.constant 128 : i32
    %dma_wait3A_188 = arith.constant 0 : i32
    %dma_wait3A_189 = tpu.memref_slice %arg16[%dma_wait3A_187, %dma_wait3A_188] : memref<640x64xf32, #tpu.memory_space<vmem>> -> memref<128x64xf32, #tpu.memory_space<vmem>>
    %dma_wait3A_190 = arith.constant 640 : i32
    %dma_wait3A_191 = tpu.memref_slice %arg10[%dma_wait3A_190] : memref<2560xi32, #tpu.memory_space<vmem>> -> memref<128xi32, #tpu.memory_space<vmem>>
    %dma_wait3A_192 = arith.constant 0 : i32
    %dma_wait3A_193 = arith.constant 0 : i32
    %dma_wait3A_194 = tpu.memref_slice %arg6[%dma_wait3A_192, %dma_wait3A_193] : memref<100000x64xf32, #tpu.memory_space<hbm>> -> memref<100000x64xf32, #tpu.memory_space<hbm>>
    tpu.wait_indirect_dma semaphore(%arg19 : memref<!tpu.dma_semaphore, #tpu.memory_space<semaphore_mem>>) src(%dma_wait3A_194 : memref<100000x64xf32, #tpu.memory_space<hbm>>) dst(%dma_wait3A_189 : memref<128x64xf32, #tpu.memory_space<vmem>>)
    %dma_wait3A_195 = arith.constant 256 : i32
    %dma_wait3A_196 = arith.constant 0 : i32
    %dma_wait3A_197 = tpu.memref_slice %arg16[%dma_wait3A_195, %dma_wait3A_196] : memref<640x64xf32, #tpu.memory_space<vmem>> -> memref<128x64xf32, #tpu.memory_space<vmem>>
    %dma_wait3A_198 = arith.constant 1152 : i32
    %dma_wait3A_199 = tpu.memref_slice %arg10[%dma_wait3A_198] : memref<2560xi32, #tpu.memory_space<vmem>> -> memref<128xi32, #tpu.memory_space<vmem>>
    %dma_wait3A_200 = arith.constant 0 : i32
    %dma_wait3A_201 = arith.constant 0 : i32
    %dma_wait3A_202 = tpu.memref_slice %arg6[%dma_wait3A_200, %dma_wait3A_201] : memref<100000x64xf32, #tpu.memory_space<hbm>> -> memref<100000x64xf32, #tpu.memory_space<hbm>>
    tpu.wait_indirect_dma semaphore(%arg19 : memref<!tpu.dma_semaphore, #tpu.memory_space<semaphore_mem>>) src(%dma_wait3A_202 : memref<100000x64xf32, #tpu.memory_space<hbm>>) dst(%dma_wait3A_197 : memref<128x64xf32, #tpu.memory_space<vmem>>)
    %dma_wait3A_203 = arith.constant 384 : i32
    %dma_wait3A_204 = arith.constant 0 : i32
    %dma_wait3A_205 = tpu.memref_slice %arg16[%dma_wait3A_203, %dma_wait3A_204] : memref<640x64xf32, #tpu.memory_space<vmem>> -> memref<128x64xf32, #tpu.memory_space<vmem>>
    %dma_wait3A_206 = arith.constant 1664 : i32
    %dma_wait3A_207 = tpu.memref_slice %arg10[%dma_wait3A_206] : memref<2560xi32, #tpu.memory_space<vmem>> -> memref<128xi32, #tpu.memory_space<vmem>>
    %dma_wait3A_208 = arith.constant 0 : i32
    %dma_wait3A_209 = arith.constant 0 : i32
    %dma_wait3A_210 = tpu.memref_slice %arg6[%dma_wait3A_208, %dma_wait3A_209] : memref<100000x64xf32, #tpu.memory_space<hbm>> -> memref<100000x64xf32, #tpu.memory_space<hbm>>
    tpu.wait_indirect_dma semaphore(%arg19 : memref<!tpu.dma_semaphore, #tpu.memory_space<semaphore_mem>>) src(%dma_wait3A_210 : memref<100000x64xf32, #tpu.memory_space<hbm>>) dst(%dma_wait3A_205 : memref<128x64xf32, #tpu.memory_space<vmem>>)
    %dma_wait3A_211 = arith.constant 512 : i32
    %dma_wait3A_212 = arith.constant 0 : i32
    %dma_wait3A_213 = tpu.memref_slice %arg16[%dma_wait3A_211, %dma_wait3A_212] : memref<640x64xf32, #tpu.memory_space<vmem>> -> memref<128x64xf32, #tpu.memory_space<vmem>>
    %dma_wait3A_214 = arith.constant 2176 : i32
    %dma_wait3A_215 = tpu.memref_slice %arg10[%dma_wait3A_214] : memref<2560xi32, #tpu.memory_space<vmem>> -> memref<128xi32, #tpu.memory_space<vmem>>
    %dma_wait3A_216 = arith.constant 0 : i32
    %dma_wait3A_217 = arith.constant 0 : i32
    %dma_wait3A_218 = tpu.memref_slice %arg6[%dma_wait3A_216, %dma_wait3A_217] : memref<100000x64xf32, #tpu.memory_space<hbm>> -> memref<100000x64xf32, #tpu.memory_space<hbm>>
    tpu.wait_indirect_dma semaphore(%arg19 : memref<!tpu.dma_semaphore, #tpu.memory_space<semaphore_mem>>) src(%dma_wait3A_218 : memref<100000x64xf32, #tpu.memory_space<hbm>>) dst(%dma_wait3A_213 : memref<128x64xf32, #tpu.memory_space<vmem>>)
    %dma_start3A_219 = arith.constant 256 : i32
    %dma_start3A_220 = tpu.memref_slice %arg8[%dma_start3A_219] : memref<512xi32, #tpu.memory_space<vmem>> -> memref<128xi32, #tpu.memory_space<vmem>>
    %dma_start3A_221 = arith.constant 0 : i32
    %dma_start3A_222 = arith.constant 0 : i32
    %dma_start3A_223 = tpu.memref_slice %arg5[%dma_start3A_221, %dma_start3A_222] : memref<100000x64xf32, #tpu.memory_space<hbm>> -> memref<100000x64xf32, #tpu.memory_space<hbm>>
    tpu.enqueue_indirect_dma source(%dma_start3A_223 : memref<100000x64xf32, #tpu.memory_space<hbm>>) target(%arg11 : memref<128x64xf32, #tpu.memory_space<vmem>>) offsets(%dma_start3A_220 : memref<128xi32, #tpu.memory_space<vmem>>) semaphore(%arg18 : memref<!tpu.dma_semaphore, #tpu.memory_space<semaphore_mem>>)
    %dma_start3A_224 = arith.constant 256 : i32
    %dma_start3A_225 = tpu.memref_slice %arg9[%dma_start3A_224] : memref<512xi32, #tpu.memory_space<vmem>> -> memref<128xi32, #tpu.memory_space<vmem>>
    %dma_start3A_226 = arith.constant 0 : i32
    %dma_start3A_227 = arith.constant 0 : i32
    %dma_start3A_228 = tpu.memref_slice %arg6[%dma_start3A_226, %dma_start3A_227] : memref<100000x64xf32, #tpu.memory_space<hbm>> -> memref<100000x64xf32, #tpu.memory_space<hbm>>
    tpu.enqueue_indirect_dma source(%dma_start3A_228 : memref<100000x64xf32, #tpu.memory_space<hbm>>) target(%arg12 : memref<128x64xf32, #tpu.memory_space<vmem>>) offsets(%dma_start3A_225 : memref<128xi32, #tpu.memory_space<vmem>>) semaphore(%arg18 : memref<!tpu.dma_semaphore, #tpu.memory_space<semaphore_mem>>)
    %dma_start3A_229 = arith.constant 0 : i32
    %dma_start3A_230 = arith.constant 0 : i32
    %dma_start3A_231 = tpu.memref_slice %arg13[%dma_start3A_229, %dma_start3A_230] : memref<640x64xf32, #tpu.memory_space<vmem>> -> memref<128x64xf32, #tpu.memory_space<vmem>>
    %dma_start3A_232 = arith.constant 256 : i32
    %dma_start3A_233 = tpu.memref_slice %arg10[%dma_start3A_232] : memref<2560xi32, #tpu.memory_space<vmem>> -> memref<128xi32, #tpu.memory_space<vmem>>
    %dma_start3A_234 = arith.constant 0 : i32
    %dma_start3A_235 = arith.constant 0 : i32
    %dma_start3A_236 = tpu.memref_slice %arg6[%dma_start3A_234, %dma_start3A_235] : memref<100000x64xf32, #tpu.memory_space<hbm>> -> memref<100000x64xf32, #tpu.memory_space<hbm>>
    tpu.enqueue_indirect_dma source(%dma_start3A_236 : memref<100000x64xf32, #tpu.memory_space<hbm>>) target(%dma_start3A_231 : memref<128x64xf32, #tpu.memory_space<vmem>>) offsets(%dma_start3A_233 : memref<128xi32, #tpu.memory_space<vmem>>) semaphore(%arg18 : memref<!tpu.dma_semaphore, #tpu.memory_space<semaphore_mem>>)
    %dma_start3A_237 = arith.constant 128 : i32
    %dma_start3A_238 = arith.constant 0 : i32
    %dma_start3A_239 = tpu.memref_slice %arg13[%dma_start3A_237, %dma_start3A_238] : memref<640x64xf32, #tpu.memory_space<vmem>> -> memref<128x64xf32, #tpu.memory_space<vmem>>
    %dma_start3A_240 = arith.constant 768 : i32
    %dma_start3A_241 = tpu.memref_slice %arg10[%dma_start3A_240] : memref<2560xi32, #tpu.memory_space<vmem>> -> memref<128xi32, #tpu.memory_space<vmem>>
    %dma_start3A_242 = arith.constant 0 : i32
    %dma_start3A_243 = arith.constant 0 : i32
    %dma_start3A_244 = tpu.memref_slice %arg6[%dma_start3A_242, %dma_start3A_243] : memref<100000x64xf32, #tpu.memory_space<hbm>> -> memref<100000x64xf32, #tpu.memory_space<hbm>>
    tpu.enqueue_indirect_dma source(%dma_start3A_244 : memref<100000x64xf32, #tpu.memory_space<hbm>>) target(%dma_start3A_239 : memref<128x64xf32, #tpu.memory_space<vmem>>) offsets(%dma_start3A_241 : memref<128xi32, #tpu.memory_space<vmem>>) semaphore(%arg18 : memref<!tpu.dma_semaphore, #tpu.memory_space<semaphore_mem>>)
    %dma_start3A_245 = arith.constant 256 : i32
    %dma_start3A_246 = arith.constant 0 : i32
    %dma_start3A_247 = tpu.memref_slice %arg13[%dma_start3A_245, %dma_start3A_246] : memref<640x64xf32, #tpu.memory_space<vmem>> -> memref<128x64xf32, #tpu.memory_space<vmem>>
    %dma_start3A_248 = arith.constant 1280 : i32
    %dma_start3A_249 = tpu.memref_slice %arg10[%dma_start3A_248] : memref<2560xi32, #tpu.memory_space<vmem>> -> memref<128xi32, #tpu.memory_space<vmem>>
    %dma_start3A_250 = arith.constant 0 : i32
    %dma_start3A_251 = arith.constant 0 : i32
    %dma_start3A_252 = tpu.memref_slice %arg6[%dma_start3A_250, %dma_start3A_251] : memref<100000x64xf32, #tpu.memory_space<hbm>> -> memref<100000x64xf32, #tpu.memory_space<hbm>>
    tpu.enqueue_indirect_dma source(%dma_start3A_252 : memref<100000x64xf32, #tpu.memory_space<hbm>>) target(%dma_start3A_247 : memref<128x64xf32, #tpu.memory_space<vmem>>) offsets(%dma_start3A_249 : memref<128xi32, #tpu.memory_space<vmem>>) semaphore(%arg18 : memref<!tpu.dma_semaphore, #tpu.memory_space<semaphore_mem>>)
    %dma_start3A_253 = arith.constant 384 : i32
    %dma_start3A_254 = arith.constant 0 : i32
    %dma_start3A_255 = tpu.memref_slice %arg13[%dma_start3A_253, %dma_start3A_254] : memref<640x64xf32, #tpu.memory_space<vmem>> -> memref<128x64xf32, #tpu.memory_space<vmem>>
    %dma_start3A_256 = arith.constant 1792 : i32
    %dma_start3A_257 = tpu.memref_slice %arg10[%dma_start3A_256] : memref<2560xi32, #tpu.memory_space<vmem>> -> memref<128xi32, #tpu.memory_space<vmem>>
    %dma_start3A_258 = arith.constant 0 : i32
    %dma_start3A_259 = arith.constant 0 : i32
    %dma_start3A_260 = tpu.memref_slice %arg6[%dma_start3A_258, %dma_start3A_259] : memref<100000x64xf32, #tpu.memory_space<hbm>> -> memref<100000x64xf32, #tpu.memory_space<hbm>>
    tpu.enqueue_indirect_dma source(%dma_start3A_260 : memref<100000x64xf32, #tpu.memory_space<hbm>>) target(%dma_start3A_255 : memref<128x64xf32, #tpu.memory_space<vmem>>) offsets(%dma_start3A_257 : memref<128xi32, #tpu.memory_space<vmem>>) semaphore(%arg18 : memref<!tpu.dma_semaphore, #tpu.memory_space<semaphore_mem>>)
    %dma_start3A_261 = arith.constant 512 : i32
    %dma_start3A_262 = arith.constant 0 : i32
    %dma_start3A_263 = tpu.memref_slice %arg13[%dma_start3A_261, %dma_start3A_262] : memref<640x64xf32, #tpu.memory_space<vmem>> -> memref<128x64xf32, #tpu.memory_space<vmem>>
    %dma_start3A_264 = arith.constant 2304 : i32
    %dma_start3A_265 = tpu.memref_slice %arg10[%dma_start3A_264] : memref<2560xi32, #tpu.memory_space<vmem>> -> memref<128xi32, #tpu.memory_space<vmem>>
    %dma_start3A_266 = arith.constant 0 : i32
    %dma_start3A_267 = arith.constant 0 : i32
    %dma_start3A_268 = tpu.memref_slice %arg6[%dma_start3A_266, %dma_start3A_267] : memref<100000x64xf32, #tpu.memory_space<hbm>> -> memref<100000x64xf32, #tpu.memory_space<hbm>>
    tpu.enqueue_indirect_dma source(%dma_start3A_268 : memref<100000x64xf32, #tpu.memory_space<hbm>>) target(%dma_start3A_263 : memref<128x64xf32, #tpu.memory_space<vmem>>) offsets(%dma_start3A_265 : memref<128xi32, #tpu.memory_space<vmem>>) semaphore(%arg18 : memref<!tpu.dma_semaphore, #tpu.memory_space<semaphore_mem>>)
    %scan3A_269 = arith.constant 0 : i32
    %scan3A_270 = arith.constant 128 : i32
    %scan3A_271 = arith.addi %scan3A_269, %scan3A_270 : i32
    %scan3A_272 = arith.constant 1 : i32
    scf.for %scan3A_446 = %scan3A_269 to %scan3A_271 step %scan3A_272  : i32 {
      %mul3A_447 = arith.constant 1 : i32
      %mul3A_448 = arith.muli %scan3A_446, %mul3A_447 : i32
      %add3A_449 = arith.constant 0 : i32
      %add3A_450 = arith.addi %add3A_449, %mul3A_448 : i32
      %get3A = arith.index_cast %add3A_450 : i32 to index
      %get3A_451 = arith.constant 0 : index
      %get3A_452 = tpu.vector_load %arg14[%get3A, %get3A_451] {strides = array<i32>} : memref<128x64xf32, #tpu.memory_space<vmem>>, vector<16xf32>,
      %get3A_453 = arith.index_cast %add3A_450 : i32 to index
      %get3A_454 = arith.constant 16 : index
      %get3A_455 = tpu.vector_load %arg14[%get3A_453, %get3A_454] {strides = array<i32>} : memref<128x64xf32, #tpu.memory_space<vmem>>, vector<16xf32>,
      %get3A_456 = arith.index_cast %add3A_450 : i32 to index
      %get3A_457 = arith.constant 32 : index
      %get3A_458 = tpu.vector_load %arg14[%get3A_456, %get3A_457] {strides = array<i32>} : memref<128x64xf32, #tpu.memory_space<vmem>>, vector<16xf32>,
      %get3A_459 = arith.index_cast %add3A_450 : i32 to index
      %get3A_460 = arith.constant 48 : index
      %get3A_461 = tpu.vector_load %arg14[%get3A_459, %get3A_460] {strides = array<i32>} : memref<128x64xf32, #tpu.memory_space<vmem>>, vector<16xf32>,
      %get3A_462 = arith.index_cast %add3A_450 : i32 to index
      %get3A_463 = arith.constant 0 : index
      %get3A_464 = tpu.vector_load %arg15[%get3A_462, %get3A_463] {strides = array<i32>} : memref<128x64xf32, #tpu.memory_space<vmem>>, vector<16xf32>,
      %get3A_465 = arith.index_cast %add3A_450 : i32 to index
      %get3A_466 = arith.constant 16 : index
      %get3A_467 = tpu.vector_load %arg15[%get3A_465, %get3A_466] {strides = array<i32>} : memref<128x64xf32, #tpu.memory_space<vmem>>, vector<16xf32>,
      %get3A_468 = arith.index_cast %add3A_450 : i32 to index
      %get3A_469 = arith.constant 32 : index
      %get3A_470 = tpu.vector_load %arg15[%get3A_468, %get3A_469] {strides = array<i32>} : memref<128x64xf32, #tpu.memory_space<vmem>>, vector<16xf32>,
      %get3A_471 = arith.index_cast %add3A_450 : i32 to index
      %get3A_472 = arith.constant 48 : index
      %get3A_473 = tpu.vector_load %arg15[%get3A_471, %get3A_472] {strides = array<i32>} : memref<128x64xf32, #tpu.memory_space<vmem>>, vector<16xf32>,
      %mul3A_474 = arith.constant 96 : i32
      %mul3A_475 = arith.muli %add3A_450, %mul3A_474 : i32
      %mul3A_476 = arith.mulf %get3A_452, %get3A_464 : vector<16xf32>
      %mul3A_477 = arith.mulf %get3A_455, %get3A_467 : vector<16xf32>
      %add3A_478 = arith.addf %mul3A_476, %mul3A_477 : vector<16xf32>
      %mul3A_479 = arith.mulf %get3A_458, %get3A_470 : vector<16xf32>
      %add3A_480 = arith.addf %add3A_478, %mul3A_479 : vector<16xf32>
      %mul3A_481 = arith.mulf %get3A_461, %get3A_473 : vector<16xf32>
      %add3A_482 = arith.addf %add3A_480, %mul3A_481 : vector<16xf32>
      %swap3A = arith.index_cast %mul3A_475 : i32 to index
      %swap3A_483 = tpu.vector_load %arg17[%swap3A] {strides = array<i32>} : memref<12288xf32, #tpu.memory_space<vmem>>, vector<16xf32>,
      tpu.vector_store %arg17[%swap3A], %add3A_482 {strides = array<i32>} : memref<12288xf32, #tpu.memory_space<vmem>>, vector<16xf32>,
      %add3A_484 = arith.constant 0 : i32
      %add3A_485 = arith.addi %add3A_484, %add3A_450 : i32
      %get3A_486 = arith.index_cast %add3A_485 : i32 to index
      %get3A_487 = arith.constant 0 : index
      %get3A_488 = tpu.vector_load %arg16[%get3A_486, %get3A_487] {strides = array<i32>} : memref<640x64xf32, #tpu.memory_space<vmem>>, vector<16xf32>,
      %mul3A_489 = arith.mulf %get3A_452, %get3A_488 : vector<16xf32>
      %get3A_490 = arith.index_cast %add3A_485 : i32 to index
      %get3A_491 = arith.constant 16 : index
      %get3A_492 = tpu.vector_load %arg16[%get3A_490, %get3A_491] {strides = array<i32>} : memref<640x64xf32, #tpu.memory_space<vmem>>, vector<16xf32>,
      %mul3A_493 = arith.mulf %get3A_455, %get3A_492 : vector<16xf32>
      %add3A_494 = arith.addf %mul3A_489, %mul3A_493 : vector<16xf32>
      %get3A_495 = arith.index_cast %add3A_485 : i32 to index
      %get3A_496 = arith.constant 32 : index
      %get3A_497 = tpu.vector_load %arg16[%get3A_495, %get3A_496] {strides = array<i32>} : memref<640x64xf32, #tpu.memory_space<vmem>>, vector<16xf32>,
      %mul3A_498 = arith.mulf %get3A_458, %get3A_497 : vector<16xf32>
      %add3A_499 = arith.addf %add3A_494, %mul3A_498 : vector<16xf32>
      %get3A_500 = arith.index_cast %add3A_485 : i32 to index
      %get3A_501 = arith.constant 48 : index
      %get3A_502 = tpu.vector_load %arg16[%get3A_500, %get3A_501] {strides = array<i32>} : memref<640x64xf32, #tpu.memory_space<vmem>>, vector<16xf32>,
      %mul3A_503 = arith.mulf %get3A_461, %get3A_502 : vector<16xf32>
      %add3A_504 = arith.addf %add3A_499, %mul3A_503 : vector<16xf32>
      %add3A_505 = arith.constant 16 : i32
      %add3A_506 = arith.addi %mul3A_475, %add3A_505 : i32
      %swap3A_507 = arith.index_cast %add3A_506 : i32 to index
      %swap3A_508 = tpu.vector_load %arg17[%swap3A_507] {strides = array<i32>} : memref<12288xf32, #tpu.memory_space<vmem>>, vector<16xf32>,
      tpu.vector_store %arg17[%swap3A_507], %add3A_504 {strides = array<i32>} : memref<12288xf32, #tpu.memory_space<vmem>>, vector<16xf32>,
      %add3A_509 = arith.constant 128 : i32
      %add3A_510 = arith.addi %add3A_509, %add3A_450 : i32
      %get3A_511 = arith.index_cast %add3A_510 : i32 to index
      %get3A_512 = arith.constant 0 : index
      %get3A_513 = tpu.vector_load %arg16[%get3A_511, %get3A_512] {strides = array<i32>} : memref<640x64xf32, #tpu.memory_space<vmem>>, vector<16xf32>,
      %mul3A_514 = arith.mulf %get3A_452, %get3A_513 : vector<16xf32>
      %get3A_515 = arith.index_cast %add3A_510 : i32 to index
      %get3A_516 = arith.constant 16 : index
      %get3A_517 = tpu.vector_load %arg16[%get3A_515, %get3A_516] {strides = array<i32>} : memref<640x64xf32, #tpu.memory_space<vmem>>, vector<16xf32>,
      %mul3A_518 = arith.mulf %get3A_455, %get3A_517 : vector<16xf32>
      %add3A_519 = arith.addf %mul3A_514, %mul3A_518 : vector<16xf32>
      %get3A_520 = arith.index_cast %add3A_510 : i32 to index
      %get3A_521 = arith.constant 32 : index
      %get3A_522 = tpu.vector_load %arg16[%get3A_520, %get3A_521] {strides = array<i32>} : memref<640x64xf32, #tpu.memory_space<vmem>>, vector<16xf32>,
      %mul3A_523 = arith.mulf %get3A_458, %get3A_522 : vector<16xf32>
      %add3A_524 = arith.addf %add3A_519, %mul3A_523 : vector<16xf32>
      %get3A_525 = arith.index_cast %add3A_510 : i32 to index
      %get3A_526 = arith.constant 48 : index
      %get3A_527 = tpu.vector_load %arg16[%get3A_525, %get3A_526] {strides = array<i32>} : memref<640x64xf32, #tpu.memory_space<vmem>>, vector<16xf32>,
      %mul3A_528 = arith.mulf %get3A_461, %get3A_527 : vector<16xf32>
      %add3A_529 = arith.addf %add3A_524, %mul3A_528 : vector<16xf32>
      %add3A_530 = arith.constant 32 : i32
      %add3A_531 = arith.addi %mul3A_475, %add3A_530 : i32
      %swap3A_532 = arith.index_cast %add3A_531 : i32 to index
      %swap3A_533 = tpu.vector_load %arg17[%swap3A_532] {strides = array<i32>} : memref<12288xf32, #tpu.memory_space<vmem>>, vector<16xf32>,
      tpu.vector_store %arg17[%swap3A_532], %add3A_529 {strides = array<i32>} : memref<12288xf32, #tpu.memory_space<vmem>>, vector<16xf32>,
      %add3A_534 = arith.constant 256 : i32
      %add3A_535 = arith.addi %add3A_534, %add3A_450 : i32
      %get3A_536 = arith.index_cast %add3A_535 : i32 to index
      %get3A_537 = arith.constant 0 : index
      %get3A_538 = tpu.vector_load %arg16[%get3A_536, %get3A_537] {strides = array<i32>} : memref<640x64xf32, #tpu.memory_space<vmem>>, vector<16xf32>,
      %mul3A_539 = arith.mulf %get3A_452, %get3A_538 : vector<16xf32>
      %get3A_540 = arith.index_cast %add3A_535 : i32 to index
      %get3A_541 = arith.constant 16 : index
      %get3A_542 = tpu.vector_load %arg16[%get3A_540, %get3A_541] {strides = array<i32>} : memref<640x64xf32, #tpu.memory_space<vmem>>, vector<16xf32>,
      %mul3A_543 = arith.mulf %get3A_455, %get3A_542 : vector<16xf32>
      %add3A_544 = arith.addf %mul3A_539, %mul3A_543 : vector<16xf32>
      %get3A_545 = arith.index_cast %add3A_535 : i32 to index
      %get3A_546 = arith.constant 32 : index
      %get3A_547 = tpu.vector_load %arg16[%get3A_545, %get3A_546] {strides = array<i32>} : memref<640x64xf32, #tpu.memory_space<vmem>>, vector<16xf32>,
      %mul3A_548 = arith.mulf %get3A_458, %get3A_547 : vector<16xf32>
      %add3A_549 = arith.addf %add3A_544, %mul3A_548 : vector<16xf32>
      %get3A_550 = arith.index_cast %add3A_535 : i32 to index
      %get3A_551 = arith.constant 48 : index
      %get3A_552 = tpu.vector_load %arg16[%get3A_550, %get3A_551] {strides = array<i32>} : memref<640x64xf32, #tpu.memory_space<vmem>>, vector<16xf32>,
      %mul3A_553 = arith.mulf %get3A_461, %get3A_552 : vector<16xf32>
      %add3A_554 = arith.addf %add3A_549, %mul3A_553 : vector<16xf32>
      %add3A_555 = arith.constant 48 : i32
      %add3A_556 = arith.addi %mul3A_475, %add3A_555 : i32
      %swap3A_557 = arith.index_cast %add3A_556 : i32 to index
      %swap3A_558 = tpu.vector_load %arg17[%swap3A_557] {strides = array<i32>} : memref<12288xf32, #tpu.memory_space<vmem>>, vector<16xf32>,
      tpu.vector_store %arg17[%swap3A_557], %add3A_554 {strides = array<i32>} : memref<12288xf32, #tpu.memory_space<vmem>>, vector<16xf32>,
      %add3A_559 = arith.constant 384 : i32
      %add3A_560 = arith.addi %add3A_559, %add3A_450 : i32
      %get3A_561 = arith.index_cast %add3A_560 : i32 to index
      %get3A_562 = arith.constant 0 : index
      %get3A_563 = tpu.vector_load %arg16[%get3A_561, %get3A_562] {strides = array<i32>} : memref<640x64xf32, #tpu.memory_space<vmem>>, vector<16xf32>,
      %mul3A_564 = arith.mulf %get3A_452, %get3A_563 : vector<16xf32>
      %get3A_565 = arith.index_cast %add3A_560 : i32 to index
      %get3A_566 = arith.constant 16 : index
      %get3A_567 = tpu.vector_load %arg16[%get3A_565, %get3A_566] {strides = array<i32>} : memref<640x64xf32, #tpu.memory_space<vmem>>, vector<16xf32>,
      %mul3A_568 = arith.mulf %get3A_455, %get3A_567 : vector<16xf32>
      %add3A_569 = arith.addf %mul3A_564, %mul3A_568 : vector<16xf32>
      %get3A_570 = arith.index_cast %add3A_560 : i32 to index
      %get3A_571 = arith.constant 32 : index
      %get3A_572 = tpu.vector_load %arg16[%get3A_570, %get3A_571] {strides = array<i32>} : memref<640x64xf32, #tpu.memory_space<vmem>>, vector<16xf32>,
      %mul3A_573 = arith.mulf %get3A_458, %get3A_572 : vector<16xf32>
      %add3A_574 = arith.addf %add3A_569, %mul3A_573 : vector<16xf32>
      %get3A_575 = arith.index_cast %add3A_560 : i32 to index
      %get3A_576 = arith.constant 48 : index
      %get3A_577 = tpu.vector_load %arg16[%get3A_575, %get3A_576] {strides = array<i32>} : memref<640x64xf32, #tpu.memory_space<vmem>>, vector<16xf32>,
      %mul3A_578 = arith.mulf %get3A_461, %get3A_577 : vector<16xf32>
      %add3A_579 = arith.addf %add3A_574, %mul3A_578 : vector<16xf32>
      %add3A_580 = arith.constant 64 : i32
      %add3A_581 = arith.addi %mul3A_475, %add3A_580 : i32
      %swap3A_582 = arith.index_cast %add3A_581 : i32 to index
      %swap3A_583 = tpu.vector_load %arg17[%swap3A_582] {strides = array<i32>} : memref<12288xf32, #tpu.memory_space<vmem>>, vector<16xf32>,
      tpu.vector_store %arg17[%swap3A_582], %add3A_579 {strides = array<i32>} : memref<12288xf32, #tpu.memory_space<vmem>>, vector<16xf32>,
      %add3A_584 = arith.constant 512 : i32
      %add3A_585 = arith.addi %add3A_584, %add3A_450 : i32
      %get3A_586 = arith.index_cast %add3A_585 : i32 to index
      %get3A_587 = arith.constant 0 : index
      %get3A_588 = tpu.vector_load %arg16[%get3A_586, %get3A_587] {strides = array<i32>} : memref<640x64xf32, #tpu.memory_space<vmem>>, vector<16xf32>,
      %mul3A_589 = arith.mulf %get3A_452, %get3A_588 : vector<16xf32>
      %get3A_590 = arith.index_cast %add3A_585 : i32 to index
      %get3A_591 = arith.constant 16 : index
      %get3A_592 = tpu.vector_load %arg16[%get3A_590, %get3A_591] {strides = array<i32>} : memref<640x64xf32, #tpu.memory_space<vmem>>, vector<16xf32>,
      %mul3A_593 = arith.mulf %get3A_455, %get3A_592 : vector<16xf32>
      %add3A_594 = arith.addf %mul3A_589, %mul3A_593 : vector<16xf32>
      %get3A_595 = arith.index_cast %add3A_585 : i32 to index
      %get3A_596 = arith.constant 32 : index
      %get3A_597 = tpu.vector_load %arg16[%get3A_595, %get3A_596] {strides = array<i32>} : memref<640x64xf32, #tpu.memory_space<vmem>>, vector<16xf32>,
      %mul3A_598 = arith.mulf %get3A_458, %get3A_597 : vector<16xf32>
      %add3A_599 = arith.addf %add3A_594, %mul3A_598 : vector<16xf32>
      %get3A_600 = arith.index_cast %add3A_585 : i32 to index
      %get3A_601 = arith.constant 48 : index
      %get3A_602 = tpu.vector_load %arg16[%get3A_600, %get3A_601] {strides = array<i32>} : memref<640x64xf32, #tpu.memory_space<vmem>>, vector<16xf32>,
      %mul3A_603 = arith.mulf %get3A_461, %get3A_602 : vector<16xf32>
      %add3A_604 = arith.addf %add3A_599, %mul3A_603 : vector<16xf32>
      %add3A_605 = arith.constant 80 : i32
      %add3A_606 = arith.addi %mul3A_475, %add3A_605 : i32
      %swap3A_607 = arith.index_cast %add3A_606 : i32 to index
      %swap3A_608 = tpu.vector_load %arg17[%swap3A_607] {strides = array<i32>} : memref<12288xf32, #tpu.memory_space<vmem>>, vector<16xf32>,
      tpu.vector_store %arg17[%swap3A_607], %add3A_604 {strides = array<i32>} : memref<12288xf32, #tpu.memory_space<vmem>>, vector<16xf32>,
    }
    %scan3A_273 = arith.constant 128 : i32
    %add3A_274 = arith.constant 128 : i32
    %add3A_275 = arith.addi %mul3A_2, %add3A_274 : i32
    %mul3A_276 = arith.constant 96 : i32
    %mul3A_277 = arith.muli %add3A_275, %mul3A_276 : i32
    "tpu.region"() ({
      %run_scoped3A = tpu.sem_alloc : memref<!tpu.dma_semaphore, #tpu.memory_space<semaphore_mem>>
      %dma_start3A_446 = tpu.memref_slice %arg7[%mul3A_277] : memref<1572864xf32, #tpu.memory_space<hbm>> -> memref<12288xf32, #tpu.memory_space<hbm>>
      %dma_start3A_447 = tpu.memref_slice %arg7[%mul3A_277] : memref<1572864xf32, #tpu.memory_space<hbm>> -> memref<12288xf32, #tpu.memory_space<hbm>>
      tpu.enqueue_dma source(%arg17 : memref<12288xf32, #tpu.memory_space<vmem>>) target(%dma_start3A_447 : memref<12288xf32, #tpu.memory_space<hbm>>) target_semaphore(%run_scoped3A : memref<!tpu.dma_semaphore, #tpu.memory_space<semaphore_mem>>)
      %dma_wait3A_448 = tpu.memref_slice %arg7[%mul3A_277] : memref<1572864xf32, #tpu.memory_space<hbm>> -> memref<12288xf32, #tpu.memory_space<hbm>>
      %dma_wait3A_449 = tpu.memref_slice %arg7[%mul3A_277] : memref<1572864xf32, #tpu.memory_space<hbm>> -> memref<12288xf32, #tpu.memory_space<hbm>>
      tpu.wait_dma2 semaphore(%run_scoped3A : memref<!tpu.dma_semaphore, #tpu.memory_space<semaphore_mem>>) src(%arg17 : memref<12288xf32, #tpu.memory_space<vmem>>) dst(%dma_wait3A_449 : memref<12288xf32, #tpu.memory_space<hbm>>)
      tpu.yield
    }) : () -> ()
    %dma_wait3A_278 = arith.constant 256 : i32
    %dma_wait3A_279 = tpu.memref_slice %arg8[%dma_wait3A_278] : memref<512xi32, #tpu.memory_space<vmem>> -> memref<128xi32, #tpu.memory_space<vmem>>
    %dma_wait3A_280 = arith.constant 0 : i32
    %dma_wait3A_281 = arith.constant 0 : i32
    %dma_wait3A_282 = tpu.memref_slice %arg5[%dma_wait3A_280, %dma_wait3A_281] : memref<100000x64xf32, #tpu.memory_space<hbm>> -> memref<100000x64xf32, #tpu.memory_space<hbm>>
    tpu.wait_indirect_dma semaphore(%arg18 : memref<!tpu.dma_semaphore, #tpu.memory_space<semaphore_mem>>) src(%dma_wait3A_282 : memref<100000x64xf32, #tpu.memory_space<hbm>>) dst(%arg11 : memref<128x64xf32, #tpu.memory_space<vmem>>)
    %dma_wait3A_283 = arith.constant 256 : i32
    %dma_wait3A_284 = tpu.memref_slice %arg9[%dma_wait3A_283] : memref<512xi32, #tpu.memory_space<vmem>> -> memref<128xi32, #tpu.memory_space<vmem>>
    %dma_wait3A_285 = arith.constant 0 : i32
    %dma_wait3A_286 = arith.constant 0 : i32
    %dma_wait3A_287 = tpu.memref_slice %arg6[%dma_wait3A_285, %dma_wait3A_286] : memref<100000x64xf32, #tpu.memory_space<hbm>> -> memref<100000x64xf32, #tpu.memory_space<hbm>>
    tpu.wait_indirect_dma semaphore(%arg18 : memref<!tpu.dma_semaphore, #tpu.memory_space<semaphore_mem>>) src(%dma_wait3A_287 : memref<100000x64xf32, #tpu.memory_space<hbm>>) dst(%arg12 : memref<128x64xf32, #tpu.memory_space<vmem>>)
    %dma_wait3A_288 = arith.constant 0 : i32
    %dma_wait3A_289 = arith.constant 0 : i32
    %dma_wait3A_290 = tpu.memref_slice %arg13[%dma_wait3A_288, %dma_wait3A_289] : memref<640x64xf32, #tpu.memory_space<vmem>> -> memref<128x64xf32, #tpu.memory_space<vmem>>
    %dma_wait3A_291 = arith.constant 256 : i32
    %dma_wait3A_292 = tpu.memref_slice %arg10[%dma_wait3A_291] : memref<2560xi32, #tpu.memory_space<vmem>> -> memref<128xi32, #tpu.memory_space<vmem>>
    %dma_wait3A_293 = arith.constant 0 : i32
    %dma_wait3A_294 = arith.constant 0 : i32
    %dma_wait3A_295 = tpu.memref_slice %arg6[%dma_wait3A_293, %dma_wait3A_294] : memref<100000x64xf32, #tpu.memory_space<hbm>> -> memref<100000x64xf32, #tpu.memory_space<hbm>>
    tpu.wait_indirect_dma semaphore(%arg18 : memref<!tpu.dma_semaphore, #tpu.memory_space<semaphore_mem>>) src(%dma_wait3A_295 : memref<100000x64xf32, #tpu.memory_space<hbm>>) dst(%dma_wait3A_290 : memref<128x64xf32, #tpu.memory_space<vmem>>)
    %dma_wait3A_296 = arith.constant 128 : i32
    %dma_wait3A_297 = arith.constant 0 : i32
    %dma_wait3A_298 = tpu.memref_slice %arg13[%dma_wait3A_296, %dma_wait3A_297] : memref<640x64xf32, #tpu.memory_space<vmem>> -> memref<128x64xf32, #tpu.memory_space<vmem>>
    %dma_wait3A_299 = arith.constant 768 : i32
    %dma_wait3A_300 = tpu.memref_slice %arg10[%dma_wait3A_299] : memref<2560xi32, #tpu.memory_space<vmem>> -> memref<128xi32, #tpu.memory_space<vmem>>
    %dma_wait3A_301 = arith.constant 0 : i32
    %dma_wait3A_302 = arith.constant 0 : i32
    %dma_wait3A_303 = tpu.memref_slice %arg6[%dma_wait3A_301, %dma_wait3A_302] : memref<100000x64xf32, #tpu.memory_space<hbm>> -> memref<100000x64xf32, #tpu.memory_space<hbm>>
    tpu.wait_indirect_dma semaphore(%arg18 : memref<!tpu.dma_semaphore, #tpu.memory_space<semaphore_mem>>) src(%dma_wait3A_303 : memref<100000x64xf32, #tpu.memory_space<hbm>>) dst(%dma_wait3A_298 : memref<128x64xf32, #tpu.memory_space<vmem>>)
    %dma_wait3A_304 = arith.constant 256 : i32
    %dma_wait3A_305 = arith.constant 0 : i32
    %dma_wait3A_306 = tpu.memref_slice %arg13[%dma_wait3A_304, %dma_wait3A_305] : memref<640x64xf32, #tpu.memory_space<vmem>> -> memref<128x64xf32, #tpu.memory_space<vmem>>
    %dma_wait3A_307 = arith.constant 1280 : i32
    %dma_wait3A_308 = tpu.memref_slice %arg10[%dma_wait3A_307] : memref<2560xi32, #tpu.memory_space<vmem>> -> memref<128xi32, #tpu.memory_space<vmem>>
    %dma_wait3A_309 = arith.constant 0 : i32
    %dma_wait3A_310 = arith.constant 0 : i32
    %dma_wait3A_311 = tpu.memref_slice %arg6[%dma_wait3A_309, %dma_wait3A_310] : memref<100000x64xf32, #tpu.memory_space<hbm>> -> memref<100000x64xf32, #tpu.memory_space<hbm>>
    tpu.wait_indirect_dma semaphore(%arg18 : memref<!tpu.dma_semaphore, #tpu.memory_space<semaphore_mem>>) src(%dma_wait3A_311 : memref<100000x64xf32, #tpu.memory_space<hbm>>) dst(%dma_wait3A_306 : memref<128x64xf32, #tpu.memory_space<vmem>>)
    %dma_wait3A_312 = arith.constant 384 : i32
    %dma_wait3A_313 = arith.constant 0 : i32
    %dma_wait3A_314 = tpu.memref_slice %arg13[%dma_wait3A_312, %dma_wait3A_313] : memref<640x64xf32, #tpu.memory_space<vmem>> -> memref<128x64xf32, #tpu.memory_space<vmem>>
    %dma_wait3A_315 = arith.constant 1792 : i32
    %dma_wait3A_316 = tpu.memref_slice %arg10[%dma_wait3A_315] : memref<2560xi32, #tpu.memory_space<vmem>> -> memref<128xi32, #tpu.memory_space<vmem>>
    %dma_wait3A_317 = arith.constant 0 : i32
    %dma_wait3A_318 = arith.constant 0 : i32
    %dma_wait3A_319 = tpu.memref_slice %arg6[%dma_wait3A_317, %dma_wait3A_318] : memref<100000x64xf32, #tpu.memory_space<hbm>> -> memref<100000x64xf32, #tpu.memory_space<hbm>>
    tpu.wait_indirect_dma semaphore(%arg18 : memref<!tpu.dma_semaphore, #tpu.memory_space<semaphore_mem>>) src(%dma_wait3A_319 : memref<100000x64xf32, #tpu.memory_space<hbm>>) dst(%dma_wait3A_314 : memref<128x64xf32, #tpu.memory_space<vmem>>)
    %dma_wait3A_320 = arith.constant 512 : i32
    %dma_wait3A_321 = arith.constant 0 : i32
    %dma_wait3A_322 = tpu.memref_slice %arg13[%dma_wait3A_320, %dma_wait3A_321] : memref<640x64xf32, #tpu.memory_space<vmem>> -> memref<128x64xf32, #tpu.memory_space<vmem>>
    %dma_wait3A_323 = arith.constant 2304 : i32
    %dma_wait3A_324 = tpu.memref_slice %arg10[%dma_wait3A_323] : memref<2560xi32, #tpu.memory_space<vmem>> -> memref<128xi32, #tpu.memory_space<vmem>>
    %dma_wait3A_325 = arith.constant 0 : i32
    %dma_wait3A_326 = arith.constant 0 : i32
    %dma_wait3A_327 = tpu.memref_slice %arg6[%dma_wait3A_325, %dma_wait3A_326] : memref<100000x64xf32, #tpu.memory_space<hbm>> -> memref<100000x64xf32, #tpu.memory_space<hbm>>
    tpu.wait_indirect_dma semaphore(%arg18 : memref<!tpu.dma_semaphore, #tpu.memory_space<semaphore_mem>>) src(%dma_wait3A_327 : memref<100000x64xf32, #tpu.memory_space<hbm>>) dst(%dma_wait3A_322 : memref<128x64xf32, #tpu.memory_space<vmem>>)
    %dma_start3A_328 = arith.constant 384 : i32
    %dma_start3A_329 = tpu.memref_slice %arg8[%dma_start3A_328] : memref<512xi32, #tpu.memory_space<vmem>> -> memref<128xi32, #tpu.memory_space<vmem>>
    %dma_start3A_330 = arith.constant 0 : i32
    %dma_start3A_331 = arith.constant 0 : i32
    %dma_start3A_332 = tpu.memref_slice %arg5[%dma_start3A_330, %dma_start3A_331] : memref<100000x64xf32, #tpu.memory_space<hbm>> -> memref<100000x64xf32, #tpu.memory_space<hbm>>
    tpu.enqueue_indirect_dma source(%dma_start3A_332 : memref<100000x64xf32, #tpu.memory_space<hbm>>) target(%arg14 : memref<128x64xf32, #tpu.memory_space<vmem>>) offsets(%dma_start3A_329 : memref<128xi32, #tpu.memory_space<vmem>>) semaphore(%arg19 : memref<!tpu.dma_semaphore, #tpu.memory_space<semaphore_mem>>)
    %dma_start3A_333 = arith.constant 384 : i32
    %dma_start3A_334 = tpu.memref_slice %arg9[%dma_start3A_333] : memref<512xi32, #tpu.memory_space<vmem>> -> memref<128xi32, #tpu.memory_space<vmem>>
    %dma_start3A_335 = arith.constant 0 : i32
    %dma_start3A_336 = arith.constant 0 : i32
    %dma_start3A_337 = tpu.memref_slice %arg6[%dma_start3A_335, %dma_start3A_336] : memref<100000x64xf32, #tpu.memory_space<hbm>> -> memref<100000x64xf32, #tpu.memory_space<hbm>>
    tpu.enqueue_indirect_dma source(%dma_start3A_337 : memref<100000x64xf32, #tpu.memory_space<hbm>>) target(%arg15 : memref<128x64xf32, #tpu.memory_space<vmem>>) offsets(%dma_start3A_334 : memref<128xi32, #tpu.memory_space<vmem>>) semaphore(%arg19 : memref<!tpu.dma_semaphore, #tpu.memory_space<semaphore_mem>>)
    %dma_start3A_338 = arith.constant 0 : i32
    %dma_start3A_339 = arith.constant 0 : i32
    %dma_start3A_340 = tpu.memref_slice %arg16[%dma_start3A_338, %dma_start3A_339] : memref<640x64xf32, #tpu.memory_space<vmem>> -> memref<128x64xf32, #tpu.memory_space<vmem>>
    %dma_start3A_341 = arith.constant 384 : i32
    %dma_start3A_342 = tpu.memref_slice %arg10[%dma_start3A_341] : memref<2560xi32, #tpu.memory_space<vmem>> -> memref<128xi32, #tpu.memory_space<vmem>>
    %dma_start3A_343 = arith.constant 0 : i32
    %dma_start3A_344 = arith.constant 0 : i32
    %dma_start3A_345 = tpu.memref_slice %arg6[%dma_start3A_343, %dma_start3A_344] : memref<100000x64xf32, #tpu.memory_space<hbm>> -> memref<100000x64xf32, #tpu.memory_space<hbm>>
    tpu.enqueue_indirect_dma source(%dma_start3A_345 : memref<100000x64xf32, #tpu.memory_space<hbm>>) target(%dma_start3A_340 : memref<128x64xf32, #tpu.memory_space<vmem>>) offsets(%dma_start3A_342 : memref<128xi32, #tpu.memory_space<vmem>>) semaphore(%arg19 : memref<!tpu.dma_semaphore, #tpu.memory_space<semaphore_mem>>)
    %dma_start3A_346 = arith.constant 128 : i32
    %dma_start3A_347 = arith.constant 0 : i32
    %dma_start3A_348 = tpu.memref_slice %arg16[%dma_start3A_346, %dma_start3A_347] : memref<640x64xf32, #tpu.memory_space<vmem>> -> memref<128x64xf32, #tpu.memory_space<vmem>>
    %dma_start3A_349 = arith.constant 896 : i32
    %dma_start3A_350 = tpu.memref_slice %arg10[%dma_start3A_349] : memref<2560xi32, #tpu.memory_space<vmem>> -> memref<128xi32, #tpu.memory_space<vmem>>
    %dma_start3A_351 = arith.constant 0 : i32
    %dma_start3A_352 = arith.constant 0 : i32
    %dma_start3A_353 = tpu.memref_slice %arg6[%dma_start3A_351, %dma_start3A_352] : memref<100000x64xf32, #tpu.memory_space<hbm>> -> memref<100000x64xf32, #tpu.memory_space<hbm>>
    tpu.enqueue_indirect_dma source(%dma_start3A_353 : memref<100000x64xf32, #tpu.memory_space<hbm>>) target(%dma_start3A_348 : memref<128x64xf32, #tpu.memory_space<vmem>>) offsets(%dma_start3A_350 : memref<128xi32, #tpu.memory_space<vmem>>) semaphore(%arg19 : memref<!tpu.dma_semaphore, #tpu.memory_space<semaphore_mem>>)
    %dma_start3A_354 = arith.constant 256 : i32
    %dma_start3A_355 = arith.constant 0 : i32
    %dma_start3A_356 = tpu.memref_slice %arg16[%dma_start3A_354, %dma_start3A_355] : memref<640x64xf32, #tpu.memory_space<vmem>> -> memref<128x64xf32, #tpu.memory_space<vmem>>
    %dma_start3A_357 = arith.constant 1408 : i32
    %dma_start3A_358 = tpu.memref_slice %arg10[%dma_start3A_357] : memref<2560xi32, #tpu.memory_space<vmem>> -> memref<128xi32, #tpu.memory_space<vmem>>
    %dma_start3A_359 = arith.constant 0 : i32
    %dma_start3A_360 = arith.constant 0 : i32
    %dma_start3A_361 = tpu.memref_slice %arg6[%dma_start3A_359, %dma_start3A_360] : memref<100000x64xf32, #tpu.memory_space<hbm>> -> memref<100000x64xf32, #tpu.memory_space<hbm>>
    tpu.enqueue_indirect_dma source(%dma_start3A_361 : memref<100000x64xf32, #tpu.memory_space<hbm>>) target(%dma_start3A_356 : memref<128x64xf32, #tpu.memory_space<vmem>>) offsets(%dma_start3A_358 : memref<128xi32, #tpu.memory_space<vmem>>) semaphore(%arg19 : memref<!tpu.dma_semaphore, #tpu.memory_space<semaphore_mem>>)
    %dma_start3A_362 = arith.constant 384 : i32
    %dma_start3A_363 = arith.constant 0 : i32
    %dma_start3A_364 = tpu.memref_slice %arg16[%dma_start3A_362, %dma_start3A_363] : memref<640x64xf32, #tpu.memory_space<vmem>> -> memref<128x64xf32, #tpu.memory_space<vmem>>
    %dma_start3A_365 = arith.constant 1920 : i32
    %dma_start3A_366 = tpu.memref_slice %arg10[%dma_start3A_365] : memref<2560xi32, #tpu.memory_space<vmem>> -> memref<128xi32, #tpu.memory_space<vmem>>
    %dma_start3A_367 = arith.constant 0 : i32
    %dma_start3A_368 = arith.constant 0 : i32
    %dma_start3A_369 = tpu.memref_slice %arg6[%dma_start3A_367, %dma_start3A_368] : memref<100000x64xf32, #tpu.memory_space<hbm>> -> memref<100000x64xf32, #tpu.memory_space<hbm>>
    tpu.enqueue_indirect_dma source(%dma_start3A_369 : memref<100000x64xf32, #tpu.memory_space<hbm>>) target(%dma_start3A_364 : memref<128x64xf32, #tpu.memory_space<vmem>>) offsets(%dma_start3A_366 : memref<128xi32, #tpu.memory_space<vmem>>) semaphore(%arg19 : memref<!tpu.dma_semaphore, #tpu.memory_space<semaphore_mem>>)
    %dma_start3A_370 = arith.constant 512 : i32
    %dma_start3A_371 = arith.constant 0 : i32
    %dma_start3A_372 = tpu.memref_slice %arg16[%dma_start3A_370, %dma_start3A_371] : memref<640x64xf32, #tpu.memory_space<vmem>> -> memref<128x64xf32, #tpu.memory_space<vmem>>
    %dma_start3A_373 = arith.constant 2432 : i32
    %dma_start3A_374 = tpu.memref_slice %arg10[%dma_start3A_373] : memref<2560xi32, #tpu.memory_space<vmem>> -> memref<128xi32, #tpu.memory_space<vmem>>
    %dma_start3A_375 = arith.constant 0 : i32
    %dma_start3A_376 = arith.constant 0 : i32
    %dma_start3A_377 = tpu.memref_slice %arg6[%dma_start3A_375, %dma_start3A_376] : memref<100000x64xf32, #tpu.memory_space<hbm>> -> memref<100000x64xf32, #tpu.memory_space<hbm>>
    tpu.enqueue_indirect_dma source(%dma_start3A_377 : memref<100000x64xf32, #tpu.memory_space<hbm>>) target(%dma_start3A_372 : memref<128x64xf32, #tpu.memory_space<vmem>>) offsets(%dma_start3A_374 : memref<128xi32, #tpu.memory_space<vmem>>) semaphore(%arg19 : memref<!tpu.dma_semaphore, #tpu.memory_space<semaphore_mem>>)
    %scan3A_378 = arith.constant 0 : i32
    %scan3A_379 = arith.constant 128 : i32
    %scan3A_380 = arith.addi %scan3A_378, %scan3A_379 : i32
    %scan3A_381 = arith.constant 1 : i32
    scf.for %scan3A_446 = %scan3A_378 to %scan3A_380 step %scan3A_381  : i32 {
      %mul3A_447 = arith.constant 1 : i32
      %mul3A_448 = arith.muli %scan3A_446, %mul3A_447 : i32
      %add3A_449 = arith.constant 0 : i32
      %add3A_450 = arith.addi %add3A_449, %mul3A_448 : i32
      %get3A = arith.index_cast %add3A_450 : i32 to index
      %get3A_451 = arith.constant 0 : index
      %get3A_452 = tpu.vector_load %arg11[%get3A, %get3A_451] {strides = array<i32>} : memref<128x64xf32, #tpu.memory_space<vmem>>, vector<16xf32>,
      %get3A_453 = arith.index_cast %add3A_450 : i32 to index
      %get3A_454 = arith.constant 16 : index
      %get3A_455 = tpu.vector_load %arg11[%get3A_453, %get3A_454] {strides = array<i32>} : memref<128x64xf32, #tpu.memory_space<vmem>>, vector<16xf32>,
      %get3A_456 = arith.index_cast %add3A_450 : i32 to index
      %get3A_457 = arith.constant 32 : index
      %get3A_458 = tpu.vector_load %arg11[%get3A_456, %get3A_457] {strides = array<i32>} : memref<128x64xf32, #tpu.memory_space<vmem>>, vector<16xf32>,
      %get3A_459 = arith.index_cast %add3A_450 : i32 to index
      %get3A_460 = arith.constant 48 : index
      %get3A_461 = tpu.vector_load %arg11[%get3A_459, %get3A_460] {strides = array<i32>} : memref<128x64xf32, #tpu.memory_space<vmem>>, vector<16xf32>,
      %get3A_462 = arith.index_cast %add3A_450 : i32 to index
      %get3A_463 = arith.constant 0 : index
      %get3A_464 = tpu.vector_load %arg12[%get3A_462, %get3A_463] {strides = array<i32>} : memref<128x64xf32, #tpu.memory_space<vmem>>, vector<16xf32>,
      %get3A_465 = arith.index_cast %add3A_450 : i32 to index
      %get3A_466 = arith.constant 16 : index
      %get3A_467 = tpu.vector_load %arg12[%get3A_465, %get3A_466] {strides = array<i32>} : memref<128x64xf32, #tpu.memory_space<vmem>>, vector<16xf32>,
      %get3A_468 = arith.index_cast %add3A_450 : i32 to index
      %get3A_469 = arith.constant 32 : index
      %get3A_470 = tpu.vector_load %arg12[%get3A_468, %get3A_469] {strides = array<i32>} : memref<128x64xf32, #tpu.memory_space<vmem>>, vector<16xf32>,
      %get3A_471 = arith.index_cast %add3A_450 : i32 to index
      %get3A_472 = arith.constant 48 : index
      %get3A_473 = tpu.vector_load %arg12[%get3A_471, %get3A_472] {strides = array<i32>} : memref<128x64xf32, #tpu.memory_space<vmem>>, vector<16xf32>,
      %mul3A_474 = arith.constant 96 : i32
      %mul3A_475 = arith.muli %add3A_450, %mul3A_474 : i32
      %mul3A_476 = arith.mulf %get3A_452, %get3A_464 : vector<16xf32>
      %mul3A_477 = arith.mulf %get3A_455, %get3A_467 : vector<16xf32>
      %add3A_478 = arith.addf %mul3A_476, %mul3A_477 : vector<16xf32>
      %mul3A_479 = arith.mulf %get3A_458, %get3A_470 : vector<16xf32>
      %add3A_480 = arith.addf %add3A_478, %mul3A_479 : vector<16xf32>
      %mul3A_481 = arith.mulf %get3A_461, %get3A_473 : vector<16xf32>
      %add3A_482 = arith.addf %add3A_480, %mul3A_481 : vector<16xf32>
      %swap3A = arith.index_cast %mul3A_475 : i32 to index
      %swap3A_483 = tpu.vector_load %arg17[%swap3A] {strides = array<i32>} : memref<12288xf32, #tpu.memory_space<vmem>>, vector<16xf32>,
      tpu.vector_store %arg17[%swap3A], %add3A_482 {strides = array<i32>} : memref<12288xf32, #tpu.memory_space<vmem>>, vector<16xf32>,
      %add3A_484 = arith.constant 0 : i32
      %add3A_485 = arith.addi %add3A_484, %add3A_450 : i32
      %get3A_486 = arith.index_cast %add3A_485 : i32 to index
      %get3A_487 = arith.constant 0 : index
      %get3A_488 = tpu.vector_load %arg13[%get3A_486, %get3A_487] {strides = array<i32>} : memref<640x64xf32, #tpu.memory_space<vmem>>, vector<16xf32>,
      %mul3A_489 = arith.mulf %get3A_452, %get3A_488 : vector<16xf32>
      %get3A_490 = arith.index_cast %add3A_485 : i32 to index
      %get3A_491 = arith.constant 16 : index
      %get3A_492 = tpu.vector_load %arg13[%get3A_490, %get3A_491] {strides = array<i32>} : memref<640x64xf32, #tpu.memory_space<vmem>>, vector<16xf32>,
      %mul3A_493 = arith.mulf %get3A_455, %get3A_492 : vector<16xf32>
      %add3A_494 = arith.addf %mul3A_489, %mul3A_493 : vector<16xf32>
      %get3A_495 = arith.index_cast %add3A_485 : i32 to index
      %get3A_496 = arith.constant 32 : index
      %get3A_497 = tpu.vector_load %arg13[%get3A_495, %get3A_496] {strides = array<i32>} : memref<640x64xf32, #tpu.memory_space<vmem>>, vector<16xf32>,
      %mul3A_498 = arith.mulf %get3A_458, %get3A_497 : vector<16xf32>
      %add3A_499 = arith.addf %add3A_494, %mul3A_498 : vector<16xf32>
      %get3A_500 = arith.index_cast %add3A_485 : i32 to index
      %get3A_501 = arith.constant 48 : index
      %get3A_502 = tpu.vector_load %arg13[%get3A_500, %get3A_501] {strides = array<i32>} : memref<640x64xf32, #tpu.memory_space<vmem>>, vector<16xf32>,
      %mul3A_503 = arith.mulf %get3A_461, %get3A_502 : vector<16xf32>
      %add3A_504 = arith.addf %add3A_499, %mul3A_503 : vector<16xf32>
      %add3A_505 = arith.constant 16 : i32
      %add3A_506 = arith.addi %mul3A_475, %add3A_505 : i32
      %swap3A_507 = arith.index_cast %add3A_506 : i32 to index
      %swap3A_508 = tpu.vector_load %arg17[%swap3A_507] {strides = array<i32>} : memref<12288xf32, #tpu.memory_space<vmem>>, vector<16xf32>,
      tpu.vector_store %arg17[%swap3A_507], %add3A_504 {strides = array<i32>} : memref<12288xf32, #tpu.memory_space<vmem>>, vector<16xf32>,
      %add3A_509 = arith.constant 128 : i32
      %add3A_510 = arith.addi %add3A_509, %add3A_450 : i32
      %get3A_511 = arith.index_cast %add3A_510 : i32 to index
      %get3A_512 = arith.constant 0 : index
      %get3A_513 = tpu.vector_load %arg13[%get3A_511, %get3A_512] {strides = array<i32>} : memref<640x64xf32, #tpu.memory_space<vmem>>, vector<16xf32>,
      %mul3A_514 = arith.mulf %get3A_452, %get3A_513 : vector<16xf32>
      %get3A_515 = arith.index_cast %add3A_510 : i32 to index
      %get3A_516 = arith.constant 16 : index
      %get3A_517 = tpu.vector_load %arg13[%get3A_515, %get3A_516] {strides = array<i32>} : memref<640x64xf32, #tpu.memory_space<vmem>>, vector<16xf32>,
      %mul3A_518 = arith.mulf %get3A_455, %get3A_517 : vector<16xf32>
      %add3A_519 = arith.addf %mul3A_514, %mul3A_518 : vector<16xf32>
      %get3A_520 = arith.index_cast %add3A_510 : i32 to index
      %get3A_521 = arith.constant 32 : index
      %get3A_522 = tpu.vector_load %arg13[%get3A_520, %get3A_521] {strides = array<i32>} : memref<640x64xf32, #tpu.memory_space<vmem>>, vector<16xf32>,
      %mul3A_523 = arith.mulf %get3A_458, %get3A_522 : vector<16xf32>
      %add3A_524 = arith.addf %add3A_519, %mul3A_523 : vector<16xf32>
      %get3A_525 = arith.index_cast %add3A_510 : i32 to index
      %get3A_526 = arith.constant 48 : index
      %get3A_527 = tpu.vector_load %arg13[%get3A_525, %get3A_526] {strides = array<i32>} : memref<640x64xf32, #tpu.memory_space<vmem>>, vector<16xf32>,
      %mul3A_528 = arith.mulf %get3A_461, %get3A_527 : vector<16xf32>
      %add3A_529 = arith.addf %add3A_524, %mul3A_528 : vector<16xf32>
      %add3A_530 = arith.constant 32 : i32
      %add3A_531 = arith.addi %mul3A_475, %add3A_530 : i32
      %swap3A_532 = arith.index_cast %add3A_531 : i32 to index
      %swap3A_533 = tpu.vector_load %arg17[%swap3A_532] {strides = array<i32>} : memref<12288xf32, #tpu.memory_space<vmem>>, vector<16xf32>,
      tpu.vector_store %arg17[%swap3A_532], %add3A_529 {strides = array<i32>} : memref<12288xf32, #tpu.memory_space<vmem>>, vector<16xf32>,
      %add3A_534 = arith.constant 256 : i32
      %add3A_535 = arith.addi %add3A_534, %add3A_450 : i32
      %get3A_536 = arith.index_cast %add3A_535 : i32 to index
      %get3A_537 = arith.constant 0 : index
      %get3A_538 = tpu.vector_load %arg13[%get3A_536, %get3A_537] {strides = array<i32>} : memref<640x64xf32, #tpu.memory_space<vmem>>, vector<16xf32>,
      %mul3A_539 = arith.mulf %get3A_452, %get3A_538 : vector<16xf32>
      %get3A_540 = arith.index_cast %add3A_535 : i32 to index
      %get3A_541 = arith.constant 16 : index
      %get3A_542 = tpu.vector_load %arg13[%get3A_540, %get3A_541] {strides = array<i32>} : memref<640x64xf32, #tpu.memory_space<vmem>>, vector<16xf32>,
      %mul3A_543 = arith.mulf %get3A_455, %get3A_542 : vector<16xf32>
      %add3A_544 = arith.addf %mul3A_539, %mul3A_543 : vector<16xf32>
      %get3A_545 = arith.index_cast %add3A_535 : i32 to index
      %get3A_546 = arith.constant 32 : index
      %get3A_547 = tpu.vector_load %arg13[%get3A_545, %get3A_546] {strides = array<i32>} : memref<640x64xf32, #tpu.memory_space<vmem>>, vector<16xf32>,
      %mul3A_548 = arith.mulf %get3A_458, %get3A_547 : vector<16xf32>
      %add3A_549 = arith.addf %add3A_544, %mul3A_548 : vector<16xf32>
      %get3A_550 = arith.index_cast %add3A_535 : i32 to index
      %get3A_551 = arith.constant 48 : index
      %get3A_552 = tpu.vector_load %arg13[%get3A_550, %get3A_551] {strides = array<i32>} : memref<640x64xf32, #tpu.memory_space<vmem>>, vector<16xf32>,
      %mul3A_553 = arith.mulf %get3A_461, %get3A_552 : vector<16xf32>
      %add3A_554 = arith.addf %add3A_549, %mul3A_553 : vector<16xf32>
      %add3A_555 = arith.constant 48 : i32
      %add3A_556 = arith.addi %mul3A_475, %add3A_555 : i32
      %swap3A_557 = arith.index_cast %add3A_556 : i32 to index
      %swap3A_558 = tpu.vector_load %arg17[%swap3A_557] {strides = array<i32>} : memref<12288xf32, #tpu.memory_space<vmem>>, vector<16xf32>,
      tpu.vector_store %arg17[%swap3A_557], %add3A_554 {strides = array<i32>} : memref<12288xf32, #tpu.memory_space<vmem>>, vector<16xf32>,
      %add3A_559 = arith.constant 384 : i32
      %add3A_560 = arith.addi %add3A_559, %add3A_450 : i32
      %get3A_561 = arith.index_cast %add3A_560 : i32 to index
      %get3A_562 = arith.constant 0 : index
      %get3A_563 = tpu.vector_load %arg13[%get3A_561, %get3A_562] {strides = array<i32>} : memref<640x64xf32, #tpu.memory_space<vmem>>, vector<16xf32>,
      %mul3A_564 = arith.mulf %get3A_452, %get3A_563 : vector<16xf32>
      %get3A_565 = arith.index_cast %add3A_560 : i32 to index
      %get3A_566 = arith.constant 16 : index
      %get3A_567 = tpu.vector_load %arg13[%get3A_565, %get3A_566] {strides = array<i32>} : memref<640x64xf32, #tpu.memory_space<vmem>>, vector<16xf32>,
      %mul3A_568 = arith.mulf %get3A_455, %get3A_567 : vector<16xf32>
      %add3A_569 = arith.addf %mul3A_564, %mul3A_568 : vector<16xf32>
      %get3A_570 = arith.index_cast %add3A_560 : i32 to index
      %get3A_571 = arith.constant 32 : index
      %get3A_572 = tpu.vector_load %arg13[%get3A_570, %get3A_571] {strides = array<i32>} : memref<640x64xf32, #tpu.memory_space<vmem>>, vector<16xf32>,
      %mul3A_573 = arith.mulf %get3A_458, %get3A_572 : vector<16xf32>
      %add3A_574 = arith.addf %add3A_569, %mul3A_573 : vector<16xf32>
      %get3A_575 = arith.index_cast %add3A_560 : i32 to index
      %get3A_576 = arith.constant 48 : index
      %get3A_577 = tpu.vector_load %arg13[%get3A_575, %get3A_576] {strides = array<i32>} : memref<640x64xf32, #tpu.memory_space<vmem>>, vector<16xf32>,
      %mul3A_578 = arith.mulf %get3A_461, %get3A_577 : vector<16xf32>
      %add3A_579 = arith.addf %add3A_574, %mul3A_578 : vector<16xf32>
      %add3A_580 = arith.constant 64 : i32
      %add3A_581 = arith.addi %mul3A_475, %add3A_580 : i32
      %swap3A_582 = arith.index_cast %add3A_581 : i32 to index
      %swap3A_583 = tpu.vector_load %arg17[%swap3A_582] {strides = array<i32>} : memref<12288xf32, #tpu.memory_space<vmem>>, vector<16xf32>,
      tpu.vector_store %arg17[%swap3A_582], %add3A_579 {strides = array<i32>} : memref<12288xf32, #tpu.memory_space<vmem>>, vector<16xf32>,
      %add3A_584 = arith.constant 512 : i32
      %add3A_585 = arith.addi %add3A_584, %add3A_450 : i32
      %get3A_586 = arith.index_cast %add3A_585 : i32 to index
      %get3A_587 = arith.constant 0 : index
      %get3A_588 = tpu.vector_load %arg13[%get3A_586, %get3A_587] {strides = array<i32>} : memref<640x64xf32, #tpu.memory_space<vmem>>, vector<16xf32>,
      %mul3A_589 = arith.mulf %get3A_452, %get3A_588 : vector<16xf32>
      %get3A_590 = arith.index_cast %add3A_585 : i32 to index
      %get3A_591 = arith.constant 16 : index
      %get3A_592 = tpu.vector_load %arg13[%get3A_590, %get3A_591] {strides = array<i32>} : memref<640x64xf32, #tpu.memory_space<vmem>>, vector<16xf32>,
      %mul3A_593 = arith.mulf %get3A_455, %get3A_592 : vector<16xf32>
      %add3A_594 = arith.addf %mul3A_589, %mul3A_593 : vector<16xf32>
      %get3A_595 = arith.index_cast %add3A_585 : i32 to index
      %get3A_596 = arith.constant 32 : index
      %get3A_597 = tpu.vector_load %arg13[%get3A_595, %get3A_596] {strides = array<i32>} : memref<640x64xf32, #tpu.memory_space<vmem>>, vector<16xf32>,
      %mul3A_598 = arith.mulf %get3A_458, %get3A_597 : vector<16xf32>
      %add3A_599 = arith.addf %add3A_594, %mul3A_598 : vector<16xf32>
      %get3A_600 = arith.index_cast %add3A_585 : i32 to index
      %get3A_601 = arith.constant 48 : index
      %get3A_602 = tpu.vector_load %arg13[%get3A_600, %get3A_601] {strides = array<i32>} : memref<640x64xf32, #tpu.memory_space<vmem>>, vector<16xf32>,
      %mul3A_603 = arith.mulf %get3A_461, %get3A_602 : vector<16xf32>
      %add3A_604 = arith.addf %add3A_599, %mul3A_603 : vector<16xf32>
      %add3A_605 = arith.constant 80 : i32
      %add3A_606 = arith.addi %mul3A_475, %add3A_605 : i32
      %swap3A_607 = arith.index_cast %add3A_606 : i32 to index
      %swap3A_608 = tpu.vector_load %arg17[%swap3A_607] {strides = array<i32>} : memref<12288xf32, #tpu.memory_space<vmem>>, vector<16xf32>,
      tpu.vector_store %arg17[%swap3A_607], %add3A_604 {strides = array<i32>} : memref<12288xf32, #tpu.memory_space<vmem>>, vector<16xf32>,
    }
    %scan3A_382 = arith.constant 128 : i32
    %add3A_383 = arith.constant 256 : i32
    %add3A_384 = arith.addi %mul3A_2, %add3A_383 : i32
    %mul3A_385 = arith.constant 96 : i32
    %mul3A_386 = arith.muli %add3A_384, %mul3A_385 : i32
    "tpu.region"() ({
      %run_scoped3A = tpu.sem_alloc : memref<!tpu.dma_semaphore, #tpu.memory_space<semaphore_mem>>
      %dma_start3A_446 = tpu.memref_slice %arg7[%mul3A_386] : memref<1572864xf32, #tpu.memory_space<hbm>> -> memref<12288xf32, #tpu.memory_space<hbm>>
      %dma_start3A_447 = tpu.memref_slice %arg7[%mul3A_386] : memref<1572864xf32, #tpu.memory_space<hbm>> -> memref<12288xf32, #tpu.memory_space<hbm>>
      tpu.enqueue_dma source(%arg17 : memref<12288xf32, #tpu.memory_space<vmem>>) target(%dma_start3A_447 : memref<12288xf32, #tpu.memory_space<hbm>>) target_semaphore(%run_scoped3A : memref<!tpu.dma_semaphore, #tpu.memory_space<semaphore_mem>>)
      %dma_wait3A_448 = tpu.memref_slice %arg7[%mul3A_386] : memref<1572864xf32, #tpu.memory_space<hbm>> -> memref<12288xf32, #tpu.memory_space<hbm>>
      %dma_wait3A_449 = tpu.memref_slice %arg7[%mul3A_386] : memref<1572864xf32, #tpu.memory_space<hbm>> -> memref<12288xf32, #tpu.memory_space<hbm>>
      tpu.wait_dma2 semaphore(%run_scoped3A : memref<!tpu.dma_semaphore, #tpu.memory_space<semaphore_mem>>) src(%arg17 : memref<12288xf32, #tpu.memory_space<vmem>>) dst(%dma_wait3A_449 : memref<12288xf32, #tpu.memory_space<hbm>>)
      tpu.yield
    }) : () -> ()
    %dma_wait3A_387 = arith.constant 384 : i32
    %dma_wait3A_388 = tpu.memref_slice %arg8[%dma_wait3A_387] : memref<512xi32, #tpu.memory_space<vmem>> -> memref<128xi32, #tpu.memory_space<vmem>>
    %dma_wait3A_389 = arith.constant 0 : i32
    %dma_wait3A_390 = arith.constant 0 : i32
    %dma_wait3A_391 = tpu.memref_slice %arg5[%dma_wait3A_389, %dma_wait3A_390] : memref<100000x64xf32, #tpu.memory_space<hbm>> -> memref<100000x64xf32, #tpu.memory_space<hbm>>
    tpu.wait_indirect_dma semaphore(%arg19 : memref<!tpu.dma_semaphore, #tpu.memory_space<semaphore_mem>>) src(%dma_wait3A_391 : memref<100000x64xf32, #tpu.memory_space<hbm>>) dst(%arg14 : memref<128x64xf32, #tpu.memory_space<vmem>>)
    %dma_wait3A_392 = arith.constant 384 : i32
    %dma_wait3A_393 = tpu.memref_slice %arg9[%dma_wait3A_392] : memref<512xi32, #tpu.memory_space<vmem>> -> memref<128xi32, #tpu.memory_space<vmem>>
    %dma_wait3A_394 = arith.constant 0 : i32
    %dma_wait3A_395 = arith.constant 0 : i32
    %dma_wait3A_396 = tpu.memref_slice %arg6[%dma_wait3A_394, %dma_wait3A_395] : memref<100000x64xf32, #tpu.memory_space<hbm>> -> memref<100000x64xf32, #tpu.memory_space<hbm>>
    tpu.wait_indirect_dma semaphore(%arg19 : memref<!tpu.dma_semaphore, #tpu.memory_space<semaphore_mem>>) src(%dma_wait3A_396 : memref<100000x64xf32, #tpu.memory_space<hbm>>) dst(%arg15 : memref<128x64xf32, #tpu.memory_space<vmem>>)
    %dma_wait3A_397 = arith.constant 0 : i32
    %dma_wait3A_398 = arith.constant 0 : i32
    %dma_wait3A_399 = tpu.memref_slice %arg16[%dma_wait3A_397, %dma_wait3A_398] : memref<640x64xf32, #tpu.memory_space<vmem>> -> memref<128x64xf32, #tpu.memory_space<vmem>>
    %dma_wait3A_400 = arith.constant 384 : i32
    %dma_wait3A_401 = tpu.memref_slice %arg10[%dma_wait3A_400] : memref<2560xi32, #tpu.memory_space<vmem>> -> memref<128xi32, #tpu.memory_space<vmem>>
    %dma_wait3A_402 = arith.constant 0 : i32
    %dma_wait3A_403 = arith.constant 0 : i32
    %dma_wait3A_404 = tpu.memref_slice %arg6[%dma_wait3A_402, %dma_wait3A_403] : memref<100000x64xf32, #tpu.memory_space<hbm>> -> memref<100000x64xf32, #tpu.memory_space<hbm>>
    tpu.wait_indirect_dma semaphore(%arg19 : memref<!tpu.dma_semaphore, #tpu.memory_space<semaphore_mem>>) src(%dma_wait3A_404 : memref<100000x64xf32, #tpu.memory_space<hbm>>) dst(%dma_wait3A_399 : memref<128x64xf32, #tpu.memory_space<vmem>>)
    %dma_wait3A_405 = arith.constant 128 : i32
    %dma_wait3A_406 = arith.constant 0 : i32
    %dma_wait3A_407 = tpu.memref_slice %arg16[%dma_wait3A_405, %dma_wait3A_406] : memref<640x64xf32, #tpu.memory_space<vmem>> -> memref<128x64xf32, #tpu.memory_space<vmem>>
    %dma_wait3A_408 = arith.constant 896 : i32
    %dma_wait3A_409 = tpu.memref_slice %arg10[%dma_wait3A_408] : memref<2560xi32, #tpu.memory_space<vmem>> -> memref<128xi32, #tpu.memory_space<vmem>>
    %dma_wait3A_410 = arith.constant 0 : i32
    %dma_wait3A_411 = arith.constant 0 : i32
    %dma_wait3A_412 = tpu.memref_slice %arg6[%dma_wait3A_410, %dma_wait3A_411] : memref<100000x64xf32, #tpu.memory_space<hbm>> -> memref<100000x64xf32, #tpu.memory_space<hbm>>
    tpu.wait_indirect_dma semaphore(%arg19 : memref<!tpu.dma_semaphore, #tpu.memory_space<semaphore_mem>>) src(%dma_wait3A_412 : memref<100000x64xf32, #tpu.memory_space<hbm>>) dst(%dma_wait3A_407 : memref<128x64xf32, #tpu.memory_space<vmem>>)
    %dma_wait3A_413 = arith.constant 256 : i32
    %dma_wait3A_414 = arith.constant 0 : i32
    %dma_wait3A_415 = tpu.memref_slice %arg16[%dma_wait3A_413, %dma_wait3A_414] : memref<640x64xf32, #tpu.memory_space<vmem>> -> memref<128x64xf32, #tpu.memory_space<vmem>>
    %dma_wait3A_416 = arith.constant 1408 : i32
    %dma_wait3A_417 = tpu.memref_slice %arg10[%dma_wait3A_416] : memref<2560xi32, #tpu.memory_space<vmem>> -> memref<128xi32, #tpu.memory_space<vmem>>
    %dma_wait3A_418 = arith.constant 0 : i32
    %dma_wait3A_419 = arith.constant 0 : i32
    %dma_wait3A_420 = tpu.memref_slice %arg6[%dma_wait3A_418, %dma_wait3A_419] : memref<100000x64xf32, #tpu.memory_space<hbm>> -> memref<100000x64xf32, #tpu.memory_space<hbm>>
    tpu.wait_indirect_dma semaphore(%arg19 : memref<!tpu.dma_semaphore, #tpu.memory_space<semaphore_mem>>) src(%dma_wait3A_420 : memref<100000x64xf32, #tpu.memory_space<hbm>>) dst(%dma_wait3A_415 : memref<128x64xf32, #tpu.memory_space<vmem>>)
    %dma_wait3A_421 = arith.constant 384 : i32
    %dma_wait3A_422 = arith.constant 0 : i32
    %dma_wait3A_423 = tpu.memref_slice %arg16[%dma_wait3A_421, %dma_wait3A_422] : memref<640x64xf32, #tpu.memory_space<vmem>> -> memref<128x64xf32, #tpu.memory_space<vmem>>
    %dma_wait3A_424 = arith.constant 1920 : i32
    %dma_wait3A_425 = tpu.memref_slice %arg10[%dma_wait3A_424] : memref<2560xi32, #tpu.memory_space<vmem>> -> memref<128xi32, #tpu.memory_space<vmem>>
    %dma_wait3A_426 = arith.constant 0 : i32
    %dma_wait3A_427 = arith.constant 0 : i32
    %dma_wait3A_428 = tpu.memref_slice %arg6[%dma_wait3A_426, %dma_wait3A_427] : memref<100000x64xf32, #tpu.memory_space<hbm>> -> memref<100000x64xf32, #tpu.memory_space<hbm>>
    tpu.wait_indirect_dma semaphore(%arg19 : memref<!tpu.dma_semaphore, #tpu.memory_space<semaphore_mem>>) src(%dma_wait3A_428 : memref<100000x64xf32, #tpu.memory_space<hbm>>) dst(%dma_wait3A_423 : memref<128x64xf32, #tpu.memory_space<vmem>>)
    %dma_wait3A_429 = arith.constant 512 : i32
    %dma_wait3A_430 = arith.constant 0 : i32
    %dma_wait3A_431 = tpu.memref_slice %arg16[%dma_wait3A_429, %dma_wait3A_430] : memref<640x64xf32, #tpu.memory_space<vmem>> -> memref<128x64xf32, #tpu.memory_space<vmem>>
    %dma_wait3A_432 = arith.constant 2432 : i32
    %dma_wait3A_433 = tpu.memref_slice %arg10[%dma_wait3A_432] : memref<2560xi32, #tpu.memory_space<vmem>> -> memref<128xi32, #tpu.memory_space<vmem>>
    %dma_wait3A_434 = arith.constant 0 : i32
    %dma_wait3A_435 = arith.constant 0 : i32
    %dma_wait3A_436 = tpu.memref_slice %arg6[%dma_wait3A_434, %dma_wait3A_435] : memref<100000x64xf32, #tpu.memory_space<hbm>> -> memref<100000x64xf32, #tpu.memory_space<hbm>>
    tpu.wait_indirect_dma semaphore(%arg19 : memref<!tpu.dma_semaphore, #tpu.memory_space<semaphore_mem>>) src(%dma_wait3A_436 : memref<100000x64xf32, #tpu.memory_space<hbm>>) dst(%dma_wait3A_431 : memref<128x64xf32, #tpu.memory_space<vmem>>)
    %scan3A_437 = arith.constant 0 : i32
    %scan3A_438 = arith.constant 128 : i32
    %scan3A_439 = arith.addi %scan3A_437, %scan3A_438 : i32
    %scan3A_440 = arith.constant 1 : i32
    scf.for %scan3A_446 = %scan3A_437 to %scan3A_439 step %scan3A_440  : i32 {
      %mul3A_447 = arith.constant 1 : i32
      %mul3A_448 = arith.muli %scan3A_446, %mul3A_447 : i32
      %add3A_449 = arith.constant 0 : i32
      %add3A_450 = arith.addi %add3A_449, %mul3A_448 : i32
      %get3A = arith.index_cast %add3A_450 : i32 to index
      %get3A_451 = arith.constant 0 : index
      %get3A_452 = tpu.vector_load %arg14[%get3A, %get3A_451] {strides = array<i32>} : memref<128x64xf32, #tpu.memory_space<vmem>>, vector<16xf32>,
      %get3A_453 = arith.index_cast %add3A_450 : i32 to index
      %get3A_454 = arith.constant 16 : index
      %get3A_455 = tpu.vector_load %arg14[%get3A_453, %get3A_454] {strides = array<i32>} : memref<128x64xf32, #tpu.memory_space<vmem>>, vector<16xf32>,
      %get3A_456 = arith.index_cast %add3A_450 : i32 to index
      %get3A_457 = arith.constant 32 : index
      %get3A_458 = tpu.vector_load %arg14[%get3A_456, %get3A_457] {strides = array<i32>} : memref<128x64xf32, #tpu.memory_space<vmem>>, vector<16xf32>,
      %get3A_459 = arith.index_cast %add3A_450 : i32 to index
      %get3A_460 = arith.constant 48 : index
      %get3A_461 = tpu.vector_load %arg14[%get3A_459, %get3A_460] {strides = array<i32>} : memref<128x64xf32, #tpu.memory_space<vmem>>, vector<16xf32>,
      %get3A_462 = arith.index_cast %add3A_450 : i32 to index
      %get3A_463 = arith.constant 0 : index
      %get3A_464 = tpu.vector_load %arg15[%get3A_462, %get3A_463] {strides = array<i32>} : memref<128x64xf32, #tpu.memory_space<vmem>>, vector<16xf32>,
      %get3A_465 = arith.index_cast %add3A_450 : i32 to index
      %get3A_466 = arith.constant 16 : index
      %get3A_467 = tpu.vector_load %arg15[%get3A_465, %get3A_466] {strides = array<i32>} : memref<128x64xf32, #tpu.memory_space<vmem>>, vector<16xf32>,
      %get3A_468 = arith.index_cast %add3A_450 : i32 to index
      %get3A_469 = arith.constant 32 : index
      %get3A_470 = tpu.vector_load %arg15[%get3A_468, %get3A_469] {strides = array<i32>} : memref<128x64xf32, #tpu.memory_space<vmem>>, vector<16xf32>,
      %get3A_471 = arith.index_cast %add3A_450 : i32 to index
      %get3A_472 = arith.constant 48 : index
      %get3A_473 = tpu.vector_load %arg15[%get3A_471, %get3A_472] {strides = array<i32>} : memref<128x64xf32, #tpu.memory_space<vmem>>, vector<16xf32>,
      %mul3A_474 = arith.constant 96 : i32
      %mul3A_475 = arith.muli %add3A_450, %mul3A_474 : i32
      %mul3A_476 = arith.mulf %get3A_452, %get3A_464 : vector<16xf32>
      %mul3A_477 = arith.mulf %get3A_455, %get3A_467 : vector<16xf32>
      %add3A_478 = arith.addf %mul3A_476, %mul3A_477 : vector<16xf32>
      %mul3A_479 = arith.mulf %get3A_458, %get3A_470 : vector<16xf32>
      %add3A_480 = arith.addf %add3A_478, %mul3A_479 : vector<16xf32>
      %mul3A_481 = arith.mulf %get3A_461, %get3A_473 : vector<16xf32>
      %add3A_482 = arith.addf %add3A_480, %mul3A_481 : vector<16xf32>
      %swap3A = arith.index_cast %mul3A_475 : i32 to index
      %swap3A_483 = tpu.vector_load %arg17[%swap3A] {strides = array<i32>} : memref<12288xf32, #tpu.memory_space<vmem>>, vector<16xf32>,
      tpu.vector_store %arg17[%swap3A], %add3A_482 {strides = array<i32>} : memref<12288xf32, #tpu.memory_space<vmem>>, vector<16xf32>,
      %add3A_484 = arith.constant 0 : i32
      %add3A_485 = arith.addi %add3A_484, %add3A_450 : i32
      %get3A_486 = arith.index_cast %add3A_485 : i32 to index
      %get3A_487 = arith.constant 0 : index
      %get3A_488 = tpu.vector_load %arg16[%get3A_486, %get3A_487] {strides = array<i32>} : memref<640x64xf32, #tpu.memory_space<vmem>>, vector<16xf32>,
      %mul3A_489 = arith.mulf %get3A_452, %get3A_488 : vector<16xf32>
      %get3A_490 = arith.index_cast %add3A_485 : i32 to index
      %get3A_491 = arith.constant 16 : index
      %get3A_492 = tpu.vector_load %arg16[%get3A_490, %get3A_491] {strides = array<i32>} : memref<640x64xf32, #tpu.memory_space<vmem>>, vector<16xf32>,
      %mul3A_493 = arith.mulf %get3A_455, %get3A_492 : vector<16xf32>
      %add3A_494 = arith.addf %mul3A_489, %mul3A_493 : vector<16xf32>
      %get3A_495 = arith.index_cast %add3A_485 : i32 to index
      %get3A_496 = arith.constant 32 : index
      %get3A_497 = tpu.vector_load %arg16[%get3A_495, %get3A_496] {strides = array<i32>} : memref<640x64xf32, #tpu.memory_space<vmem>>, vector<16xf32>,
      %mul3A_498 = arith.mulf %get3A_458, %get3A_497 : vector<16xf32>
      %add3A_499 = arith.addf %add3A_494, %mul3A_498 : vector<16xf32>
      %get3A_500 = arith.index_cast %add3A_485 : i32 to index
      %get3A_501 = arith.constant 48 : index
      %get3A_502 = tpu.vector_load %arg16[%get3A_500, %get3A_501] {strides = array<i32>} : memref<640x64xf32, #tpu.memory_space<vmem>>, vector<16xf32>,
      %mul3A_503 = arith.mulf %get3A_461, %get3A_502 : vector<16xf32>
      %add3A_504 = arith.addf %add3A_499, %mul3A_503 : vector<16xf32>
      %add3A_505 = arith.constant 16 : i32
      %add3A_506 = arith.addi %mul3A_475, %add3A_505 : i32
      %swap3A_507 = arith.index_cast %add3A_506 : i32 to index
      %swap3A_508 = tpu.vector_load %arg17[%swap3A_507] {strides = array<i32>} : memref<12288xf32, #tpu.memory_space<vmem>>, vector<16xf32>,
      tpu.vector_store %arg17[%swap3A_507], %add3A_504 {strides = array<i32>} : memref<12288xf32, #tpu.memory_space<vmem>>, vector<16xf32>,
      %add3A_509 = arith.constant 128 : i32
      %add3A_510 = arith.addi %add3A_509, %add3A_450 : i32
      %get3A_511 = arith.index_cast %add3A_510 : i32 to index
      %get3A_512 = arith.constant 0 : index
      %get3A_513 = tpu.vector_load %arg16[%get3A_511, %get3A_512] {strides = array<i32>} : memref<640x64xf32, #tpu.memory_space<vmem>>, vector<16xf32>,
      %mul3A_514 = arith.mulf %get3A_452, %get3A_513 : vector<16xf32>
      %get3A_515 = arith.index_cast %add3A_510 : i32 to index
      %get3A_516 = arith.constant 16 : index
      %get3A_517 = tpu.vector_load %arg16[%get3A_515, %get3A_516] {strides = array<i32>} : memref<640x64xf32, #tpu.memory_space<vmem>>, vector<16xf32>,
      %mul3A_518 = arith.mulf %get3A_455, %get3A_517 : vector<16xf32>
      %add3A_519 = arith.addf %mul3A_514, %mul3A_518 : vector<16xf32>
      %get3A_520 = arith.index_cast %add3A_510 : i32 to index
      %get3A_521 = arith.constant 32 : index
      %get3A_522 = tpu.vector_load %arg16[%get3A_520, %get3A_521] {strides = array<i32>} : memref<640x64xf32, #tpu.memory_space<vmem>>, vector<16xf32>,
      %mul3A_523 = arith.mulf %get3A_458, %get3A_522 : vector<16xf32>
      %add3A_524 = arith.addf %add3A_519, %mul3A_523 : vector<16xf32>
      %get3A_525 = arith.index_cast %add3A_510 : i32 to index
      %get3A_526 = arith.constant 48 : index
      %get3A_527 = tpu.vector_load %arg16[%get3A_525, %get3A_526] {strides = array<i32>} : memref<640x64xf32, #tpu.memory_space<vmem>>, vector<16xf32>,
      %mul3A_528 = arith.mulf %get3A_461, %get3A_527 : vector<16xf32>
      %add3A_529 = arith.addf %add3A_524, %mul3A_528 : vector<16xf32>
      %add3A_530 = arith.constant 32 : i32
      %add3A_531 = arith.addi %mul3A_475, %add3A_530 : i32
      %swap3A_532 = arith.index_cast %add3A_531 : i32 to index
      %swap3A_533 = tpu.vector_load %arg17[%swap3A_532] {strides = array<i32>} : memref<12288xf32, #tpu.memory_space<vmem>>, vector<16xf32>,
      tpu.vector_store %arg17[%swap3A_532], %add3A_529 {strides = array<i32>} : memref<12288xf32, #tpu.memory_space<vmem>>, vector<16xf32>,
      %add3A_534 = arith.constant 256 : i32
      %add3A_535 = arith.addi %add3A_534, %add3A_450 : i32
      %get3A_536 = arith.index_cast %add3A_535 : i32 to index
      %get3A_537 = arith.constant 0 : index
      %get3A_538 = tpu.vector_load %arg16[%get3A_536, %get3A_537] {strides = array<i32>} : memref<640x64xf32, #tpu.memory_space<vmem>>, vector<16xf32>,
      %mul3A_539 = arith.mulf %get3A_452, %get3A_538 : vector<16xf32>
      %get3A_540 = arith.index_cast %add3A_535 : i32 to index
      %get3A_541 = arith.constant 16 : index
      %get3A_542 = tpu.vector_load %arg16[%get3A_540, %get3A_541] {strides = array<i32>} : memref<640x64xf32, #tpu.memory_space<vmem>>, vector<16xf32>,
      %mul3A_543 = arith.mulf %get3A_455, %get3A_542 : vector<16xf32>
      %add3A_544 = arith.addf %mul3A_539, %mul3A_543 : vector<16xf32>
      %get3A_545 = arith.index_cast %add3A_535 : i32 to index
      %get3A_546 = arith.constant 32 : index
      %get3A_547 = tpu.vector_load %arg16[%get3A_545, %get3A_546] {strides = array<i32>} : memref<640x64xf32, #tpu.memory_space<vmem>>, vector<16xf32>,
      %mul3A_548 = arith.mulf %get3A_458, %get3A_547 : vector<16xf32>
      %add3A_549 = arith.addf %add3A_544, %mul3A_548 : vector<16xf32>
      %get3A_550 = arith.index_cast %add3A_535 : i32 to index
      %get3A_551 = arith.constant 48 : index
      %get3A_552 = tpu.vector_load %arg16[%get3A_550, %get3A_551] {strides = array<i32>} : memref<640x64xf32, #tpu.memory_space<vmem>>, vector<16xf32>,
      %mul3A_553 = arith.mulf %get3A_461, %get3A_552 : vector<16xf32>
      %add3A_554 = arith.addf %add3A_549, %mul3A_553 : vector<16xf32>
      %add3A_555 = arith.constant 48 : i32
      %add3A_556 = arith.addi %mul3A_475, %add3A_555 : i32
      %swap3A_557 = arith.index_cast %add3A_556 : i32 to index
      %swap3A_558 = tpu.vector_load %arg17[%swap3A_557] {strides = array<i32>} : memref<12288xf32, #tpu.memory_space<vmem>>, vector<16xf32>,
      tpu.vector_store %arg17[%swap3A_557], %add3A_554 {strides = array<i32>} : memref<12288xf32, #tpu.memory_space<vmem>>, vector<16xf32>,
      %add3A_559 = arith.constant 384 : i32
      %add3A_560 = arith.addi %add3A_559, %add3A_450 : i32
      %get3A_561 = arith.index_cast %add3A_560 : i32 to index
      %get3A_562 = arith.constant 0 : index
      %get3A_563 = tpu.vector_load %arg16[%get3A_561, %get3A_562] {strides = array<i32>} : memref<640x64xf32, #tpu.memory_space<vmem>>, vector<16xf32>,
      %mul3A_564 = arith.mulf %get3A_452, %get3A_563 : vector<16xf32>
      %get3A_565 = arith.index_cast %add3A_560 : i32 to index
      %get3A_566 = arith.constant 16 : index
      %get3A_567 = tpu.vector_load %arg16[%get3A_565, %get3A_566] {strides = array<i32>} : memref<640x64xf32, #tpu.memory_space<vmem>>, vector<16xf32>,
      %mul3A_568 = arith.mulf %get3A_455, %get3A_567 : vector<16xf32>
      %add3A_569 = arith.addf %mul3A_564, %mul3A_568 : vector<16xf32>
      %get3A_570 = arith.index_cast %add3A_560 : i32 to index
      %get3A_571 = arith.constant 32 : index
      %get3A_572 = tpu.vector_load %arg16[%get3A_570, %get3A_571] {strides = array<i32>} : memref<640x64xf32, #tpu.memory_space<vmem>>, vector<16xf32>,
      %mul3A_573 = arith.mulf %get3A_458, %get3A_572 : vector<16xf32>
      %add3A_574 = arith.addf %add3A_569, %mul3A_573 : vector<16xf32>
      %get3A_575 = arith.index_cast %add3A_560 : i32 to index
      %get3A_576 = arith.constant 48 : index
      %get3A_577 = tpu.vector_load %arg16[%get3A_575, %get3A_576] {strides = array<i32>} : memref<640x64xf32, #tpu.memory_space<vmem>>, vector<16xf32>,
      %mul3A_578 = arith.mulf %get3A_461, %get3A_577 : vector<16xf32>
      %add3A_579 = arith.addf %add3A_574, %mul3A_578 : vector<16xf32>
      %add3A_580 = arith.constant 64 : i32
      %add3A_581 = arith.addi %mul3A_475, %add3A_580 : i32
      %swap3A_582 = arith.index_cast %add3A_581 : i32 to index
      %swap3A_583 = tpu.vector_load %arg17[%swap3A_582] {strides = array<i32>} : memref<12288xf32, #tpu.memory_space<vmem>>, vector<16xf32>,
      tpu.vector_store %arg17[%swap3A_582], %add3A_579 {strides = array<i32>} : memref<12288xf32, #tpu.memory_space<vmem>>, vector<16xf32>,
      %add3A_584 = arith.constant 512 : i32
      %add3A_585 = arith.addi %add3A_584, %add3A_450 : i32
      %get3A_586 = arith.index_cast %add3A_585 : i32 to index
      %get3A_587 = arith.constant 0 : index
      %get3A_588 = tpu.vector_load %arg16[%get3A_586, %get3A_587] {strides = array<i32>} : memref<640x64xf32, #tpu.memory_space<vmem>>, vector<16xf32>,
      %mul3A_589 = arith.mulf %get3A_452, %get3A_588 : vector<16xf32>
      %get3A_590 = arith.index_cast %add3A_585 : i32 to index
      %get3A_591 = arith.constant 16 : index
      %get3A_592 = tpu.vector_load %arg16[%get3A_590, %get3A_591] {strides = array<i32>} : memref<640x64xf32, #tpu.memory_space<vmem>>, vector<16xf32>,
      %mul3A_593 = arith.mulf %get3A_455, %get3A_592 : vector<16xf32>
      %add3A_594 = arith.addf %mul3A_589, %mul3A_593 : vector<16xf32>
      %get3A_595 = arith.index_cast %add3A_585 : i32 to index
      %get3A_596 = arith.constant 32 : index
      %get3A_597 = tpu.vector_load %arg16[%get3A_595, %get3A_596] {strides = array<i32>} : memref<640x64xf32, #tpu.memory_space<vmem>>, vector<16xf32>,
      %mul3A_598 = arith.mulf %get3A_458, %get3A_597 : vector<16xf32>
      %add3A_599 = arith.addf %add3A_594, %mul3A_598 : vector<16xf32>
      %get3A_600 = arith.index_cast %add3A_585 : i32 to index
      %get3A_601 = arith.constant 48 : index
      %get3A_602 = tpu.vector_load %arg16[%get3A_600, %get3A_601] {strides = array<i32>} : memref<640x64xf32, #tpu.memory_space<vmem>>, vector<16xf32>,
      %mul3A_603 = arith.mulf %get3A_461, %get3A_602 : vector<16xf32>
      %add3A_604 = arith.addf %add3A_599, %mul3A_603 : vector<16xf32>
      %add3A_605 = arith.constant 80 : i32
      %add3A_606 = arith.addi %mul3A_475, %add3A_605 : i32
      %swap3A_607 = arith.index_cast %add3A_606 : i32 to index
      %swap3A_608 = tpu.vector_load %arg17[%swap3A_607] {strides = array<i32>} : memref<12288xf32, #tpu.memory_space<vmem>>, vector<16xf32>,
      tpu.vector_store %arg17[%swap3A_607], %add3A_604 {strides = array<i32>} : memref<12288xf32, #tpu.memory_space<vmem>>, vector<16xf32>,
    }
    %scan3A_441 = arith.constant 128 : i32
    %add3A_442 = arith.constant 384 : i32
    %add3A_443 = arith.addi %mul3A_2, %add3A_442 : i32
    %mul3A_444 = arith.constant 96 : i32
    %mul3A_445 = arith.muli %add3A_443, %mul3A_444 : i32
    "tpu.region"() ({
      %run_scoped3A = tpu.sem_alloc : memref<!tpu.dma_semaphore, #tpu.memory_space<semaphore_mem>>
      %dma_start3A_446 = tpu.memref_slice %arg7[%mul3A_445] : memref<1572864xf32, #tpu.memory_space<hbm>> -> memref<12288xf32, #tpu.memory_space<hbm>>
      %dma_start3A_447 = tpu.memref_slice %arg7[%mul3A_445] : memref<1572864xf32, #tpu.memory_space<hbm>> -> memref<12288xf32, #tpu.memory_space<hbm>>
      tpu.enqueue_dma source(%arg17 : memref<12288xf32, #tpu.memory_space<vmem>>) target(%dma_start3A_447 : memref<12288xf32, #tpu.memory_space<hbm>>) target_semaphore(%run_scoped3A : memref<!tpu.dma_semaphore, #tpu.memory_space<semaphore_mem>>)
      %dma_wait3A_448 = tpu.memref_slice %arg7[%mul3A_445] : memref<1572864xf32, #tpu.memory_space<hbm>> -> memref<12288xf32, #tpu.memory_space<hbm>>
      %dma_wait3A_449 = tpu.memref_slice %arg7[%mul3A_445] : memref<1572864xf32, #tpu.memory_space<hbm>> -> memref<12288xf32, #tpu.memory_space<hbm>>
      tpu.wait_dma2 semaphore(%run_scoped3A : memref<!tpu.dma_semaphore, #tpu.memory_space<semaphore_mem>>) src(%arg17 : memref<12288xf32, #tpu.memory_space<vmem>>) dst(%dma_wait3A_449 : memref<12288xf32, #tpu.memory_space<hbm>>)
      tpu.yield
    }) : () -> ()
    return
  }
}

module attributes {stable_mosaic.version = 14 : i64} {
  func.func @_tc_loss_kernel(%arg0: memref<12288x128xf32, #tpu.memory_space<vmem>>, %arg1: memref<1x1xf32, #tpu.memory_space<smem>>) attributes {dimension_semantics = [], scalar_prefetch = 0 : i64, scratch_operands = 0 : i64, tpu.core_type = #tpu.core_type<tc>} {
    %get3A = arith.constant 0 : index
    %get3A_0 = arith.constant 0 : index
    %get3A_1 = vector.load %arg0[%get3A, %get3A_0] : memref<12288x128xf32, #tpu.memory_space<vmem>>, vector<12288x128xf32>
    %iota3A = tpu.iota {dimensions = array<i32: 0>} : vector<128x8xi32>
    %iota3A_2 = tpu.iota {dimensions = array<i32: 1>} : vector<128x8xi32>
    %jit3A = arith.constant 16 : i32
    %div3A = vector.broadcast %jit3A : i32 to vector<128x8xi32>
    %div3A_3 = arith.divsi %iota3A, %div3A : vector<128x8xi32>
    %sign3A = arith.constant 0 : i32
    %sign3A_4 = vector.broadcast %sign3A : i32 to vector<128x8xi32>
    %sign3A_5 = arith.cmpi sgt, %iota3A, %sign3A_4 : vector<128x8xi32>
    %sign3A_6 = arith.extui %sign3A_5 : vector<128x8xi1> to vector<128x8xi32>
    %sign3A_7 = arith.constant 0 : i32
    %sign3A_8 = vector.broadcast %sign3A_7 : i32 to vector<128x8xi32>
    %sign3A_9 = arith.cmpi slt, %iota3A, %sign3A_8 : vector<128x8xi32>
    %sign3A_10 = arith.extui %sign3A_9 : vector<128x8xi1> to vector<128x8xi32>
    %sign3A_11 = arith.subi %sign3A_6, %sign3A_10 : vector<128x8xi32>
    %sign3A_12 = arith.constant 0 : i32
    %sign3A_13 = arith.cmpi sgt, %jit3A, %sign3A_12 : i32
    %sign3A_14 = arith.extui %sign3A_13 : i1 to i32
    %sign3A_15 = arith.constant 0 : i32
    %sign3A_16 = arith.cmpi slt, %jit3A, %sign3A_15 : i32
    %sign3A_17 = arith.extui %sign3A_16 : i1 to i32
    %sign3A_18 = arith.subi %sign3A_14, %sign3A_17 : i32
    %ne3A = vector.broadcast %sign3A_18 : i32 to vector<128x8xi32>
    %ne3A_19 = arith.cmpi ne, %sign3A_11, %ne3A : vector<128x8xi32>
    %rem3A = vector.broadcast %jit3A : i32 to vector<128x8xi32>
    %rem3A_20 = arith.remsi %iota3A, %rem3A : vector<128x8xi32>
    %ne3A_21 = arith.constant 0 : i32
    %ne3A_22 = vector.broadcast %ne3A_21 : i32 to vector<128x8xi32>
    %ne3A_23 = arith.cmpi ne, %rem3A_20, %ne3A_22 : vector<128x8xi32>
    %and3A = arith.andi %ne3A_19, %ne3A_23 : vector<128x8xi1>
    %sub3A = arith.constant 1 : i32
    %sub3A_24 = vector.broadcast %sub3A : i32 to vector<128x8xi32>
    %sub3A_25 = arith.subi %div3A_3, %sub3A_24 : vector<128x8xi32>
    %select_n3A = arith.select %and3A, %sub3A_25, %div3A_3 : vector<128x8xi1>, vector<128x8xi32>
    %eq3A = arith.cmpi eq, %select_n3A, %iota3A_2 : vector<128x8xi32>
    %convert_element_type3A = arith.extui %eq3A : vector<128x8xi1> to vector<128x8xi32>
    %convert_element_type3A_26 = arith.sitofp %convert_element_type3A : vector<128x8xi32> to vector<128x8xf32>
    %dot_general3A = arith.constant dense<0.000000e+00> : vector<12288x8xf32>
    %dot_general3A_27 = tpu.matmul %get3A_1, %convert_element_type3A_26, %dot_general3A {dimension_numbers = #tpu.dot_dimension_numbers<[1], [0], [0], [1], [0, 0, 1, 1], [], []>, transpose_lhs_hint = false} : vector<12288x128xf32>, vector<128x8xf32>, vector<12288x8xf32> -> vector<12288x8xf32>
    %iota3A_28 = tpu.iota {dimensions = array<i32: 0>} : vector<12288x8xi32>
    %iota3A_29 = tpu.iota {dimensions = array<i32: 1>} : vector<12288x8xi32>
    %mul3A = arith.constant 8 : i32
    %mul3A_30 = vector.broadcast %mul3A : i32 to vector<12288x8xi32>
    %mul3A_31 = arith.muli %iota3A_28, %mul3A_30 : vector<12288x8xi32>
    %add3A = arith.addi %mul3A_31, %iota3A_29 : vector<12288x8xi32>
    %jit3A_32 = arith.constant 6 : i32
    %eq3A_33 = arith.constant 0 : i32
    %eq3A_34 = arith.cmpi eq, %jit3A_32, %eq3A_33 : i32
    %jit3A_35 = arith.constant 1 : i32
    %select_n3A_36 = arith.select %eq3A_34, %jit3A_35, %jit3A_32 : i32
    %rem3A_37 = vector.broadcast %select_n3A_36 : i32 to vector<12288x8xi32>
    %rem3A_38 = arith.remsi %add3A, %rem3A_37 : vector<12288x8xi32>
    %ne3A_39 = arith.constant 0 : i32
    %ne3A_40 = vector.broadcast %ne3A_39 : i32 to vector<12288x8xi32>
    %ne3A_41 = arith.cmpi ne, %rem3A_38, %ne3A_40 : vector<12288x8xi32>
    %lt3A = arith.constant 0 : i32
    %lt3A_42 = vector.broadcast %lt3A : i32 to vector<12288x8xi32>
    %lt3A_43 = arith.cmpi slt, %rem3A_38, %lt3A_42 : vector<12288x8xi32>
    %lt3A_44 = arith.constant 0 : i32
    %lt3A_45 = arith.cmpi slt, %select_n3A_36, %lt3A_44 : i32
    %ne3A_46 = vector.broadcast %lt3A_45 : i1 to vector<12288x8xi1>
    %ne3A_47 = vector.broadcast %ne3A_46 : vector<12288x8xi1> to vector<12288x8xi1>
    %ne3A_48 = arith.xori %lt3A_43, %ne3A_47 : vector<12288x8xi1>
    %and3A_49 = arith.andi %ne3A_48, %ne3A_41 : vector<12288x8xi1>
    %add3A_50 = vector.broadcast %select_n3A_36 : i32 to vector<12288x8xi32>
    %add3A_51 = arith.addi %rem3A_38, %add3A_50 : vector<12288x8xi32>
    %select_n3A_52 = arith.select %and3A_49, %add3A_51, %rem3A_38 : vector<12288x8xi1>, vector<12288x8xi32>
    %eq3A_53 = arith.constant 0 : i32
    %eq3A_54 = vector.broadcast %eq3A_53 : i32 to vector<12288x8xi32>
    %eq3A_55 = arith.cmpi eq, %select_n3A_52, %eq3A_54 : vector<12288x8xi32>
    %jit3A_56 = arith.constant -1.000000e+00 : f32
    %jit3A_57 = arith.constant 1.000000e+00 : f32
    %broadcast_in_dim3A = vector.broadcast %jit3A_56 : f32 to vector<12288x8xf32>
    %broadcast_in_dim3A_58 = vector.broadcast %jit3A_57 : f32 to vector<12288x8xf32>
    %select_n3A_59 = arith.select %eq3A_55, %broadcast_in_dim3A, %broadcast_in_dim3A_58 : vector<12288x8xi1>, vector<12288x8xf32>
    %jit3A_60 = arith.constant -1.000000e+01 : f32
    %jit3A_61 = arith.constant 1.000000e+01 : f32
    %max3A = vector.broadcast %jit3A_60 : f32 to vector<12288x8xf32>
    %max3A_62 = arith.maximumf %max3A, %dot_general3A_27 : vector<12288x8xf32>
    %min3A = vector.broadcast %jit3A_61 : f32 to vector<12288x8xf32>
    %min3A_63 = arith.minimumf %min3A, %max3A_62 : vector<12288x8xf32>
    %mul3A_64 = arith.mulf %select_n3A_59, %min3A_63 : vector<12288x8xf32>
    %exp3A = math.exp %mul3A_64 : vector<12288x8xf32>
    %log1p3A = math.log1p %exp3A : vector<12288x8xf32>
    %reduce_sum3A = vector.shape_cast %log1p3A : vector<12288x8xf32> to vector<1x12288x8xf32>
    %reduce_sum3A_65 = arith.constant dense<0.000000e+00> : vector<1xf32>
    %reduce_sum3A_66 = vector.multi_reduction <add>, %reduce_sum3A, %reduce_sum3A_65 [1, 2] : vector<1x12288x8xf32> to vector<1xf32>
    %reduce_sum3A_67 = vector.shape_cast %reduce_sum3A_66 : vector<1xf32> to vector<1x1x1xf32>
    %reduce_sum3A_68 = vector.extract %reduce_sum3A_67[0, 0, 0] : f32 from vector<1x1x1xf32>
    %mul3A_69 = arith.constant 6.10351563E-5 : f32
    %mul3A_70 = arith.mulf %reduce_sum3A_68, %mul3A_69 : f32
    %swap3A = arith.constant 0 : index
    %swap3A_71 = arith.constant 0 : index
    %swap3A_72 = memref.load %arg1[%swap3A, %swap3A_71] : memref<1x1xf32, #tpu.memory_space<smem>>
    memref.store %mul3A_70, %arg1[%swap3A, %swap3A_71] : memref<1x1xf32, #tpu.memory_space<smem>>
    return
  }
}

</mosaic_0001>

<sc_bundles>
// kernel: kernel.4.cloned.1.call-start
scs
__scs_entry_jumppad:
0x0: {  	(pc) =	sbr.rel $0x88, $3  }
0x1: {  	(tag) =	ssettag $0x0;
	lr =	simm.s32 $0x1  }
0x2: {  	[smem:$0x3F9C] =	sst lr;
	_ =	strace $0xD0000000  }
0x3: {  	_ = 	snop  }
0x4: {  	_ = 	snop  }
0x5: {  	_ = 	snop  }
0x6: {  	_ = 	snop  }
0x7: {  	_ = 	snop  }
__scs_overlays_trampoline_lowered:
0x8: {  	[smem:$0x3FAB] =	sst s0  }
0x9: {  	[smem:$0x3FAC] =	sst s1  }
0xa: {  	[smem:$0x3FAD] =	sst s2  }
0xb: {  	[smem:$0x3FAE] =	sst s3  }
0xc: {  	[smem:$0x3FAF] =	sst s4  }
0xd: {  	[smem:$0x3FB0] =	sst s5  }
0xe: {  	[smem:$0x3FB1] =	sst s6  }
0xf: {  	[smem:$0x3FB2] =	sst s7  }
0x10: {  	[smem:$0x3FB3] =	sst s8  }
0x11: {  	[smem:$0x3FB4] =	sst s9;
	s0 =	simm.s32 @!p0 $0x0  }
0x12: {  	s1 =	sld [smem:$0x3F9A];
	s0 =	simm.s32 @p0 $0x1  }
0x13: {  	[smem:$0x3FB5] =	sst s0;
	s0 =	simm.s32 @!p1 $0x0  }
0x14: {  	s2 =	sld [smem:$0x3F99];
	s0 =	simm.s32 @p1 $0x1  }
0x15: {  	[smem:$0x3FB6] =	sst s0;
	s0 =	simm.s32 @!p2 $0x0  }
0x16: {  	s3 =	sld [smem:$0x3FDB];
	s0 =	simm.s32 @p2 $0x1  }
0x17: {  	s4 =	simm.s32 $0x1BF5;
	[smem:$0x3FB8] =	sst s0  }
0x18: {  	s0 =	sld [smem:$0x3F9B];
	_ =	swait.ge [sflag:s4], $0x0  }
0x19: {  	s7 =	sld [smem:$0x3F9C]  }
0x1a: {  	s8 =	sadd.s32 $0xFFFFE003, lr  }
0x1b: {  	s9 =	sadd.s32 $0xFFFFFEF7, lr;
	s5 =	simm.s32 $0xFFFFFFFF;
	p2 =	slt.u32 s8, $0xFFFFF086  }
0x1c: {  	p1 =	slt.u32 s9, $0xF7A;
	s5 =	simm.s32 @!p2 $0x0  }
0x1d: {  	s5 =	simm.s32 @p1 $0x1;
	p0 =	seq.s32 s7, s2  }
0x1e: {  	s7 =	smul.u32 @!p0 $0xF7A, s2;
	p2 =	seq.s32 @!p0 s5, $0x0  }
0x1f: {  	s9 =	smul.u32 $0xF7A, s1;
	s8 =	simm.s32 @!p0 $0x1BF5;
	p2 =	por !p2, p0  }
0x20: {  	[sflag:s8] =	ssyncset.s32 @!p0 $0xFFFFF086;
	s6 =	sadd.s32 @!p0 s3, s7;
	s7 =	simm.s32 @!p0 $0x108  }
0x21: {  	s3 =	sadd.s32 s3, s9;
	s6 =	sadd.s32 @!p0 $0x88, s6;
	s7 =	simm.s32 @p2 $0x1082  }
0x22: {  	[simem:s7], [sflag:s8] =	dma.local @!p0 [hbm:s6], $0xF7A  }
0x23: {  	s9 =	sor.u32 $0xD0000000, s2;
	s6 =	simm.s32 $0x108;
	_ =	swait.ge @!p0 [sflag:s8], $0x0  }
0x24: {  	s3 =	sadd.s32 $0x88, s3;
	s6 =	simm.s32 @!p1 $0x1082;
	[sflag:s4] =	ssyncset.s32 $0xFFFFF086  }
0x25: {  	[simem:s6], [sflag:s4] =	dma.local [hbm:s3], $0xF7A  }
0x26: {  	[smem:$0x3F9C] =	sst s1;
	(tag) =	ssettag s2;
	_ =	strace s9  }
0x27: {  	s1 =	sld [smem:$0x3FAC]  }
0x28: {  	s2 =	sld [smem:$0x3FAD]  }
0x29: {  	s4 =	sld [smem:$0x3FAF]  }
0x2a: {  	p0 =	seq.s32 s5, $0x0;
	s5 =	sld [smem:$0x3FB0]  }
0x2b: {  	s6 =	sld [smem:$0x3FB1]  }
0x2c: {  	s7 =	sld [smem:$0x3FB2]  }
0x2d: {  	s3 =	simm.s32 $0x108;
	s8 =	sld [smem:$0x3FB3]  }
0x2e: {  	s3 =	simm.s32 @!p0 $0x1082;
	s9 =	sld [smem:$0x3FB4]  }
0x2f: {  	lr =	sadd.s32 s0, s3;
	s0 =	sld [smem:$0x3FAB]  }
0x30: {  	s3 =	sld [smem:$0x3FAE]  }
0x31: {  	[smem:$0x3FB7] =	sst s10  }
0x32: {  	s10 =	sld [smem:$0x3FB5];
	_ =	sdelay $0x3  }
0x33: {  	p0 =	seq.s32 s10, $0x1;
	s10 =	sld [smem:$0x3FB7];
	_ =	sdelay $0x3  }
0x34: {  	[smem:$0x3FB7] =	sst s10  }
0x35: {  	s10 =	sld [smem:$0x3FB6];
	_ =	sdelay $0x3  }
0x36: {  	p1 =	seq.s32 s10, $0x1;
	s10 =	sld [smem:$0x3FB7];
	_ =	sdelay $0x3  }
0x37: {  	[smem:$0x3FB7] =	sst s10  }
0x38: {  	s10 =	sld [smem:$0x3FB8]  }
0x39: {  	_ = 	snop;
	(pc) =	sbr.ind lr, $3  }
0x3a: {  	_ = 	snop  }
0x3b: {  	_ = 	snop  }
0x3c: {  	p2 =	seq.s32 s10, $0x1;
	s10 =	sld [smem:$0x3FB7]  }
0x3d: {  	_ =	shalt  }
0x3e: {  	_ =	shalt  }
0x3f: {  	_ =	shalt  }
0x40: {  	_ =	shalt  }
0x41: {  	_ =	shalt  }
0x42: {  	_ =	shalt  }
0x43: {  	_ =	shalt  }
0x44: {  	_ =	shalt  }
0x45: {  	_ =	shalt  }
0x46: {  	_ =	shalt  }
0x47: {  	_ =	shalt  }
0x48: {  	_ =	shalt  }
0x49: {  	_ =	shalt  }
0x4a: {  	_ =	shalt  }
0x4b: {  	_ =	shalt  }
0x4c: {  	_ =	shalt  }
0x4d: {  	_ =	shalt  }
0x4e: {  	_ =	shalt  }
0x4f: {  	_ =	shalt  }
0x50: {  	_ =	shalt  }
0x51: {  	_ =	shalt  }
0x52: {  	_ =	shalt  }
0x53: {  	_ =	shalt  }
0x54: {  	_ =	shalt  }
0x55: {  	_ =	shalt  }
0x56: {  	_ =	shalt  }
0x57: {  	_ =	shalt  }
0x58: {  	_ =	shalt  }
0x59: {  	_ =	shalt  }
0x5a: {  	_ =	shalt  }
0x5b: {  	_ =	shalt  }
0x5c: {  	_ =	shalt  }
0x5d: {  	_ =	shalt  }
0x5e: {  	_ =	shalt  }
0x5f: {  	_ =	shalt  }
0x60: {  	_ =	shalt  }
0x61: {  	_ =	shalt  }
0x62: {  	_ =	shalt  }
0x63: {  	_ =	shalt  }
0x64: {  	_ =	shalt  }
0x65: {  	_ =	shalt  }
0x66: {  	_ =	shalt  }
0x67: {  	_ =	shalt  }
0x68: {  	_ =	shalt  }
0x69: {  	_ =	shalt  }
0x6a: {  	_ =	shalt  }
0x6b: {  	_ =	shalt  }
0x6c: {  	_ =	shalt  }
0x6d: {  	_ =	shalt  }
0x6e: {  	_ =	shalt  }
0x6f: {  	_ =	shalt  }
0x70: {  	_ =	shalt  }
0x71: {  	_ =	shalt  }
0x72: {  	_ =	shalt  }
0x73: {  	_ =	shalt  }
0x74: {  	_ =	shalt  }
0x75: {  	_ =	shalt  }
0x76: {  	_ =	shalt  }
0x77: {  	_ =	shalt  }
0x78: {  	_ =	shalt  }
0x79: {  	_ =	shalt  }
0x7a: {  	_ =	shalt  }
0x7b: {  	_ =	shalt  }
0x7c: {  	_ =	shalt  }
0x7d: {  	_ =	shalt  }
0x7e: {  	_ =	shalt  }
0x7f: {  	_ =	shalt  }
0x80: {  	_ =	shalt  }
0x81: {  	_ =	shalt  }
0x82: {  	_ =	shalt  }
0x83: {  	_ =	shalt  }
0x84: {  	_ =	shalt  }
0x85: {  	_ =	shalt  }
0x86: {  	_ =	shalt  }
0x87: {  	_ =	shalt  }
.Lfunc_end0:
.L_simem_size_0:
called_computation_lowered:
.L_overlay_start_0:
0x88: {  	s2 =	sld [smem:$0x3FD9]  }
0x89: {  	s3 =	sld [smem:$0x3FFE];
	_ =	sdelay $0x1  }
0x8a: {  	s1 =	srdreg.scid  }
0x8b: {  	s0 =	sand.u32 $0x1, s1  }
0x8c: {  	s17 =	sshll.u32 s0, $0xA;
	s2 =	sadd.s32 s3, s2  }
0x8d: {  	s2 =	sadd.s32 s2, s17  }
0x8e: {  	[smem:$0x3FC3] =	sst s2  }
0x8f: {  	_ = 	snop  }
0x90: {  	s2 =	sld [smem:$0x3FC9]  }
0x91: {  	s18 =	sld [smem:$0x3FC8];
	(tm) =	ssettm $0x1  }
0x92: {  	s4 =	sld [smem:$0x3FFB];
	_ =	sdelay $0x3  }
0x93: {  	_ =	strace s4  }
0x94: {  	s4 =	sld [smem:$0x3FFC];
	_ =	sdelay $0x3  }
0x95: {  	_ =	strace s4  }
0x96: {  	s4 =	sld [smem:$0x3FFD];
	_ =	sdelay $0x3  }
0x97: {  	_ =	strace s4  }
0x98: {  	_ =	strace $0x8FFFFFFF  }
0x99: {  	s19 =	sld [smem:$0x3FDB];
	_ =	sdelay $0x1  }
0x9a: {  	s5 =	simm.s32 $_scs_section_size  }
0x9b: {  	s6 =	simm.s32 $_size__tile_overlayer_lowered;
	s7 =	simm.s32 $_tile_overlayer_lowered  }
0x9c: {  	s22 =	simm.s32 $0x1BFF;
	s21 =	sshll.u32 s7, $0x1;
	s4 =	sadd.s32 s5, s19  }
0x9d: {  	s8 =	simm.s32 $0x0;
	s20 =	sshll.u32 s6, $0x1;
	s6 =	sadd.s32 s21, s4  }
0x9e: {  	[timem:s8], [sflag:s22] =	dma.local [hbm:s6], s20  }
0x9f: {  	_ =	swait.ge [sflag:s22], s20  }
0xa0: {  	s5 =	ssub.s32 $0x0, s20;
	[sflag:s22] =	ssyncset.done $0x0  }
0xa1: {  	[sflag:s22] =	ssyncadd.s32 s5;
	_ =	sdelay $0x1  }
0xa2: {  	s23 =	simm.s32 $0x1B8B  }
0xa3: {  	_ =	swait.ge [sflag:s23], $0x1  }
0xa4: {  	[sflag:s23] =	ssyncset.done $0x0  }
0xa5: {  	s25 =	simm.s32 $0x1B8E;
	s24 =	sld [smem:$0x3FFE];
	[sflag:s23] =	ssyncadd.s32 $0xFFFFFFFF  }
0xa6: {  	s26 =	simm.s32 $execute0_lowered;
	[smem:$0x3FD2] =	sst s25  }
0xa7: {  	s6 =	sshll.u32 s26, $0x1;
	_ =	strace $0x80000046;
	[dreg:$0x1] =	wrdreg $0xFFFFFFFF  }
0xa8: {  	s28 =	simm.s32 $_size_execute0_lowered;
	s4 =	sadd.s32 s4, s6;
	[dreg:$0x0] =	wrdreg $0x0  }
0xa9: {  	s6 =	sshll.u32 s28, $0x1;
	[dreg:$0x2] =	wrdreg s4  }
0xaa: {  	[dreg:$0x3] =	wrdreg s6  }
0xab: {  	[dreg:$0x4] =	wrdreg $0xC0  }
0xac: {  	_ =	task [dreg:s8], $0x5FFFF  }
0xad: {  	[dreg:$0x1] =	wrdreg $0xFFFFFFFF  }
0xae: {  	[dreg:$0x0] =	wrdreg $0x60  }
0xaf: {  	[dreg:$0x2] =	wrdreg s2  }
0xb0: {  	[dreg:$0x3] =	wrdreg s18  }
0xb1: {  	[dreg:$0x4] =	wrdreg s24  }
0xb2: {  	[dreg:$0x5] =	wrdreg $0x9  }
0xb3: {  	_ =	task.clear_ibuf [dreg:s8], $0x6FFFF;
	_ =	strace $0x90000046  }
0xb4: {  	s29 =	simm.s32 $0x9;
	_ =	strace $0x80000048  }
0xb5: {  	_ =	swait.ge [sflag:s29], $0x1  }
0xb6: {  	[sflag:s29] =	ssyncadd.s32 $0xFFFFFFFF  }
0xb7: {  	_ =	strace $0x90000048  }
0xb8: {  	_ =	sfence  }
0xb9: {  	s30 =	sld [smem:$0x0];
	_ =	sdelay $0x2  }
0xba: {  	s31 =	sshll.u32 s1, $0xD;
	s1 =	sshrl.u32 s1, $0x2  }
0xbb: {  	s3 =	sand.u32 $0x4000, s31;
	s1 =	sadd.s32 s1, s30  }
0xbc: {  	s0 =	sor.u32 s3, s0;
	s1 =	sshll.u32 s1, $0x11  }
0xbd: {  	s0 =	sor.u32 s1, s0  }
0xbe: {  	s0 =	sadd.s32 $0x8F2B, s0  }
0xbf: {  	[sflag:s0] =	ssyncadd.remote.s32 $0x1  }
0xc0: {  	_ =	sfence.sel $0xFFFF  }
0xc1: {  	[dreg:$0x0] =	wrdreg $0xFFFFFFFF;
	(pc) =	sbr.abs _section_cstart, $3  }
0xc2: {  	[dreg:$0x1] =	wrdreg $0xFFFFFFFF  }
0xc3: {  	_ =	task.clear_ibuf [dreg:s8], $0x2FFFF;
	_ =	strace $0x9FFFFFFF  }
0xc4: {  	(tm) =	ssettm $0x7FFFFFFF  }
0xc5: {  	_ =	shalt  }
tec
execute0_lowered:
.L_overlay_start_1:
0x0: {  	(tag) =	ssettag $0x1  }
0x1: {  	s0 =	rddreg [dreg:$0x0]  }
0x2: {  	s1 =	rddreg [dreg:$0x1]  }
0x3: {  	s5 =	rddreg [dreg:$0x2];
	s3 =	srdreg.scid  }
0x4: {  	s6 =	stileid.u32;
	s2 =	simm.s32 $0x0;
	s17 =	simm.s32 $0x3  }
0x5: {  	s18 =	simm.s32 $0xEE00;
	s19 =	simm.s32 $0x10E00;
	s20 =	simm.s32 $0x12E00  }
0x6: {  	s21 =	simm.s32 $0x16E00;
	s22 =	simm.s32 $0x18E00;
	s23 =	simm.s32 $0x1CE00  }
0x7: {  	s4 =	sand.u32 $0x1, s3;
	s24 =	sshll.u32 s6, $0x1;
	[smem:$0x7FF] =	sst s2  }
0x8: {  	s3 =	sadd.s32 $0x24C400, s5;
	s6 =	sor.u32 s4, s24;
	_ =	strace $0x80000047  }
0x9: {  	s9 =	ssub.s32 $0x2, s4;
	s4 =	sadd.s32 $0x188E00, s5;
	s24 =	simm.s32 $0x80  }
0xa: {  	s7 =	sshll.u32 s6, $0x6;
	s10 =	sshrl.u32 s9, $0x1;
	s25 =	smul.u32 $0xC000, s6  }
0xb: {  	s28 =	smul.u32 $0x1800, s6;
	s6 =	simm.s32 $0x1AE00;
	s8 =	sadd.s32 s7, s5  }
0xc: {  	s5 =	sadd.s32 $0x4C00, s5;
	s9 =	ssub.s32 s9, s10;
	s0 =	sadd.s32 s0, s7  }
0xd: {  	s1 =	sadd.s32 s1, s7;
	s7 =	simm.s32 $0x2;
	[dreg:$0x4] =	wrdreg s0  }
0xe: {  	[dreg:$0x5] =	wrdreg s1;
	s26 =	sadd.s32 $0x2400, s8;
	s29 =	sadd.s32 $0x2C00, s8  }
0xf: {  	s30 =	sadd.s32 $0x3400, s8;
	s0 =	sshrl.u32 s25, $0x3;
	[dreg:$0x6] =	wrdreg s26  }
0x10: {  	s31 =	sadd.s32 $0x3C00, s8;
	s11 =	sadd.s32 s5, s28;
	[dreg:$0x7] =	wrdreg s29  }
0x11: {  	s12 =	sadd.s32 $0x4400, s8;
	s16 =	smax.u32 s9, $0x1;
	[dreg:$0x8] =	wrdreg s30  }
0x12: {  	s1 =	simm.s32 $0x1;
	s25 =	simm.s32 $0x0;
	[dreg:$0x9] =	wrdreg s31  }
0x13: {  	s0 =	sadd.s32 s5, s0;
	s13 =	sadd.s32 $0x600, s11;
	s5 =	simm.s32 $0x14E00  }
0x14: {  	s14 =	sadd.s32 $0xC00, s0;
	s15 =	sadd.s32 $0x1200, s0;
	s0 =	simm.s32 $0xCE00  }
.LBB2_1:
0x15: {  	s8 =	rddreg [dreg:$0x4]  }
0x16: {  	[tilespmem:s2], [sflag:$0x3] =	stream.linear.gather [hbm4b:s8+s2], $0x200, $0x38;
	[tilespmem:$0x1FE00] =	vst v63  }
0x17: {  	_ =	swait.ge [sflag:s17], $0x200  }
0x18: {  	[sflag:s17] =	ssyncset.done $0x0  }
0x19: {  	s9 =	simm.s32 $0x200;
	s26 =	rddreg [dreg:$0x5];
	[sflag:s17] =	ssyncadd.s32 $0xFFFFFE00  }
0x1a: {  	[tilespmem:s9], [sflag:$0x3] =	stream.linear.gather [hbm4b:s26+s2], $0x200, $0x38;
	[tilespmem:$0x1FE00] =	vst v63  }
0x1b: {  	_ =	swait.ge [sflag:s17], $0x200  }
0x1c: {  	[sflag:s17] =	ssyncset.done $0x0  }
0x1d: {  	s26 =	simm.s32 $0x400;
	s28 =	rddreg [dreg:$0x6];
	[sflag:s17] =	ssyncadd.s32 $0xFFFFFE00  }
0x1e: {  	[tilespmem:s26], [sflag:$0x3] =	stream.linear.gather [hbm4b:s28+s2], $0x200, $0x38;
	[tilespmem:$0x1FE00] =	vst v63  }
0x1f: {  	_ =	swait.ge [sflag:s17], $0x200  }
0x20: {  	[sflag:s17] =	ssyncset.done $0x0  }
0x21: {  	s28 =	simm.s32 $0x600;
	s10 =	rddreg [dreg:$0x7];
	[sflag:s17] =	ssyncadd.s32 $0xFFFFFE00  }
0x22: {  	[tilespmem:s28], [sflag:$0x3] =	stream.linear.gather [hbm4b:s10+s2], $0x200, $0x38;
	[tilespmem:$0x1FE00] =	vst v63  }
0x23: {  	_ =	swait.ge [sflag:s17], $0x200  }
0x24: {  	[sflag:s17] =	ssyncset.done $0x0  }
0x25: {  	s29 =	simm.s32 $0x800;
	s10 =	rddreg [dreg:$0x8];
	[sflag:s17] =	ssyncadd.s32 $0xFFFFFE00  }
0x26: {  	[tilespmem:s29], [sflag:$0x3] =	stream.linear.gather [hbm4b:s10+s2], $0x200, $0x38;
	[tilespmem:$0x1FE00] =	vst v63  }
0x27: {  	_ =	swait.ge [sflag:s17], $0x200  }
0x28: {  	[sflag:s17] =	ssyncset.done $0x0  }
0x29: {  	s8 =	simm.s32 $0xA00;
	s10 =	rddreg [dreg:$0x9];
	[sflag:s17] =	ssyncadd.s32 $0xFFFFFE00  }
0x2a: {  	[tilespmem:s8], [sflag:$0x3] =	stream.linear.gather [hbm4b:s10+s2], $0x200, $0x38;
	[tilespmem:$0x1FE00] =	vst v63  }
0x2b: {  	_ =	swait.ge [sflag:s17], $0x200  }
0x2c: {  	[sflag:s17] =	ssyncset.done $0x0  }
0x2d: {  	s10 =	simm.s32 $0xC00;
	[sflag:s17] =	ssyncadd.s32 $0xFFFFFE00  }
0x2e: {  	[tilespmem:s10], [sflag:$0x3] =	stream.linear.gather [hbm4b:s12+s2], $0x200, $0x38;
	[tilespmem:$0x1FE00] =	vst v63  }
0x2f: {  	_ =	swait.ge [sflag:s17], $0x200  }
0x30: {  	[sflag:s17] =	ssyncset.done $0x0  }
0x31: {  	s30 =	simm.s32 $0xE00;
	[sflag:s17] =	ssyncadd.s32 $0xFFFFFE00  }
0x32: {  	[tilespmem:s30], [sflag:$0x1] =	stream.indirect.gather [hbm4b:s3+s24], $0x40, s2, s24, $0xb8;
	[tilespmem:$0x1FE00] =	vst v63  }
0x33: {  	s30 =	simm.s32 $0x2E00  }
0x34: {  	[tilespmem:s30], [sflag:$0x1] =	stream.indirect.gather [hbm4b:s4+s24], $0x40, s9, s24, $0xb8;
	[tilespmem:$0x1FE00] =	vst v63  }
0x35: {  	s9 =	simm.s32 $0x4E00  }
0x36: {  	[tilespmem:s9], [sflag:$0x1] =	stream.indirect.gather [hbm4b:s4+s24], $0x40, s26, s24, $0xb8;
	[tilespmem:$0x1FE00] =	vst v63  }
0x37: {  	s26 =	simm.s32 $0x6E00  }
0x38: {  	[tilespmem:s26], [sflag:$0x1] =	stream.indirect.gather [hbm4b:s4+s24], $0x40, s28, s24, $0xb8;
	[tilespmem:$0x1FE00] =	vst v63  }
0x39: {  	s31 =	simm.s32 $0x8E00  }
0x3a: {  	[tilespmem:s31], [sflag:$0x1] =	stream.indirect.gather [hbm4b:s4+s24], $0x40, s29, s24, $0xb8;
	[tilespmem:$0x1FE00] =	vst v63  }
0x3b: {  	s31 =	simm.s32 $0xAE00  }
0x3c: {  	[tilespmem:s31], [sflag:$0x1] =	stream.indirect.gather [hbm4b:s4+s24], $0x40, s8, s24, $0xb8;
	[tilespmem:$0x1FE00] =	vst v63  }
0x3d: {  	_ = 	snop  }
0x3e: {  	[tilespmem:s0], [sflag:$0x1] =	stream.indirect.gather [hbm4b:s4+s24], $0x40, s10, s24, $0xb8;
	[tilespmem:$0x1FE00] =	vst v63  }
0x3f: {  	_ =	swait.ge [sflag:s1], $0x2000  }
0x40: {  	[sflag:s1] =	ssyncset.done $0x0  }
0x41: {  	[sflag:s1] =	ssyncadd.s32 $0xFFFFE000  }
0x42: {  	_ =	swait.ge [sflag:s1], $0x2000  }
0x43: {  	[sflag:s1] =	ssyncset.done $0x0  }
0x44: {  	[sflag:s1] =	ssyncadd.s32 $0xFFFFE000  }
0x45: {  	_ =	swait.ge [sflag:s1], $0x2000  }
0x46: {  	[sflag:s1] =	ssyncset.done $0x0  }
0x47: {  	[sflag:s1] =	ssyncadd.s32 $0xFFFFE000  }
0x48: {  	_ =	swait.ge [sflag:s1], $0x2000  }
0x49: {  	[sflag:s1] =	ssyncset.done $0x0  }
0x4a: {  	[sflag:s1] =	ssyncadd.s32 $0xFFFFE000  }
0x4b: {  	_ =	swait.ge [sflag:s1], $0x2000  }
0x4c: {  	[sflag:s1] =	ssyncset.done $0x0  }
0x4d: {  	[sflag:s1] =	ssyncadd.s32 $0xFFFFE000  }
0x4e: {  	_ =	swait.ge [sflag:s1], $0x2000  }
0x4f: {  	[sflag:s1] =	ssyncset.done $0x0  }
0x50: {  	[sflag:s1] =	ssyncadd.s32 $0xFFFFE000  }
0x51: {  	_ =	swait.ge [sflag:s1], $0x2000  }
0x52: {  	[sflag:s1] =	ssyncset.done $0x0  }
0x53: {  	[sflag:s1] =	ssyncadd.s32 $0xFFFFE000  }
0x54: {  	[tilespmem:s18], [sflag:$0x2] =	stream.indirect.gather [hbm4b:s3+s24], $0x40, s24, s24, $0xb8;
	[tilespmem:$0x1FE00] =	vst v63  }
0x55: {  	s10 =	simm.s32 $0x280  }
0x56: {  	[tilespmem:s19], [sflag:$0x2] =	stream.indirect.gather [hbm4b:s4+s24], $0x40, s10, s24, $0xb8;
	[tilespmem:$0x1FE00] =	vst v63  }
0x57: {  	s26 =	simm.s32 $0x480  }
0x58: {  	[tilespmem:s20], [sflag:$0x2] =	stream.indirect.gather [hbm4b:s4+s24], $0x40, s26, s24, $0xb8;
	[tilespmem:$0x1FE00] =	vst v63  }
0x59: {  	s28 =	simm.s32 $0x680  }
0x5a: {  	[tilespmem:s5], [sflag:$0x2] =	stream.indirect.gather [hbm4b:s4+s24], $0x40, s28, s24, $0xb8;
	[tilespmem:$0x1FE00] =	vst v63  }
0x5b: {  	s9 =	simm.s32 $0x880  }
0x5c: {  	[tilespmem:s21], [sflag:$0x2] =	stream.indirect.gather [hbm4b:s4+s24], $0x40, s9, s24, $0xb8;
	[tilespmem:$0x1FE00] =	vst v63  }
0x5d: {  	s10 =	simm.s32 $0xA80  }
0x5e: {  	[tilespmem:s22], [sflag:$0x2] =	stream.indirect.gather [hbm4b:s4+s24], $0x40, s10, s24, $0xb8;
	[tilespmem:$0x1FE00] =	vst v63  }
0x5f: {  	s26 =	simm.s32 $0xC80;
	s28 =	simm.s32 $0x0  }
0x60: {  	[tilespmem:s6], [sflag:$0x2] =	stream.indirect.gather [hbm4b:s4+s24], $0x40, s26, s24, $0xb8;
	[tilespmem:$0x1FE00] =	vst v63  }
0x61: {  	v0 =	vld [tilespmem:s28+$0xE10]  }
0x62: {  	v3 =	vld [tilespmem:s28+$0x2E10]  }
0x63: {  	v7 =	vld [tilespmem:s28+$0xE00]  }
0x64: {  	v4 =	vld [tilespmem:s28+$0x2E00]  }
0x65: {  	v5 =	vld [tilespmem:s28+$0x2E20]  }
0x66: {  	v2 =	vld [tilespmem:s28+$0xE20]  }
0x67: {  	v6 =	vld [tilespmem:s28+$0x2E30]  }
0x68: {  	v1 =	vld [tilespmem:s28+$0xE30]  }
0x69: {  	v4 =	vmul.f32 v4, v7;
	v3 =	vmul.f32 v3, v0;
	_ =	sdelay $0x1  }
0x6a: {  	v3 =	vadd.f32 v3, v4;
	v4 =	vmul.f32 v5, v2;
	_ =	sdelay $0x1  }
0x6b: {  	v3 =	vadd.f32 v4, v3;
	v4 =	vmul.f32 v6, v1;
	_ =	sdelay $0x1  }
0x6c: {  	v3 =	vadd.f32 v4, v3  }
0x6d: {  	s8 =	simm.s32 $0x1CE30  }
0x6e: {  	[tilespmem:s8+$0xFFFFFFD0] =	vst v3  }
0x6f: {  	v3 =	vld [tilespmem:s28+$0x4E00]  }
0x70: {  	v4 =	vld [tilespmem:s28+$0x4E10];
	_ =	sdelay $0x1  }
0x71: {  	v5 =	vld [tilespmem:s28+$0x4E20];
	_ =	sdelay $0x1  }
0x72: {  	v6 =	vld [tilespmem:s28+$0x4E30]  }
0x73: {  	v3 =	vmul.f32 v3, v7;
	v4 =	vmul.f32 v4, v0;
	_ =	sdelay $0x1  }
0x74: {  	v3 =	vadd.f32 v4, v3;
	v4 =	vmul.f32 v5, v2;
	_ =	sdelay $0x1  }
0x75: {  	v3 =	vadd.f32 v4, v3;
	v4 =	vmul.f32 v6, v1;
	_ =	sdelay $0x1  }
0x76: {  	v3 =	vadd.f32 v4, v3;
	_ =	sdelay $0x1  }
0x77: {  	[tilespmem:s8+$0xFFFFFFE0] =	vst v3  }
0x78: {  	v3 =	vld [tilespmem:s28+$0x6E00]  }
0x79: {  	v4 =	vld [tilespmem:s28+$0x6E10];
	_ =	sdelay $0x1  }
0x7a: {  	v5 =	vld [tilespmem:s28+$0x6E20];
	_ =	sdelay $0x1  }
0x7b: {  	v6 =	vld [tilespmem:s28+$0x6E30]  }
0x7c: {  	v3 =	vmul.f32 v3, v7;
	v4 =	vmul.f32 v4, v0;
	_ =	sdelay $0x1  }
0x7d: {  	v3 =	vadd.f32 v4, v3;
	v4 =	vmul.f32 v5, v2;
	_ =	sdelay $0x1  }
0x7e: {  	v3 =	vadd.f32 v4, v3;
	v4 =	vmul.f32 v6, v1;
	_ =	sdelay $0x1  }
0x7f: {  	v3 =	vadd.f32 v4, v3;
	_ =	sdelay $0x1  }
0x80: {  	[tilespmem:s8+$0xFFFFFFF0] =	vst v3  }
0x81: {  	v3 =	vld [tilespmem:s28+$0x8E00]  }
0x82: {  	v4 =	vld [tilespmem:s28+$0x8E10];
	_ =	sdelay $0x1  }
0x83: {  	v5 =	vld [tilespmem:s28+$0x8E20];
	_ =	sdelay $0x1  }
0x84: {  	v6 =	vld [tilespmem:s28+$0x8E30]  }
0x85: {  	v3 =	vmul.f32 v3, v7;
	v4 =	vmul.f32 v4, v0;
	_ =	sdelay $0x1  }
0x86: {  	v3 =	vadd.f32 v4, v3;
	v4 =	vmul.f32 v5, v2;
	_ =	sdelay $0x1  }
0x87: {  	v3 =	vadd.f32 v4, v3;
	v4 =	vmul.f32 v6, v1;
	_ =	sdelay $0x1  }
0x88: {  	v3 =	vadd.f32 v4, v3;
	_ =	sdelay $0x1  }
0x89: {  	[tilespmem:s8+$0x0] =	vst v3  }
0x8a: {  	v3 =	vld [tilespmem:s28+$0xAE00]  }
0x8b: {  	v4 =	vld [tilespmem:s28+$0xAE10];
	_ =	sdelay $0x1  }
0x8c: {  	v5 =	vld [tilespmem:s28+$0xAE20];
	_ =	sdelay $0x1  }
0x8d: {  	v6 =	vld [tilespmem:s28+$0xAE30]  }
0x8e: {  	v3 =	vmul.f32 v3, v7;
	v4 =	vmul.f32 v4, v0;
	_ =	sdelay $0x1  }
0x8f: {  	v5 =	vmul.f32 v5, v2;
	v3 =	vadd.f32 v4, v3;
	_ =	sdelay $0x1  }
0x90: {  	v4 =	vmul.f32 v6, v1;
	v3 =	vadd.f32 v5, v3;
	_ =	sdelay $0x1  }
0x91: {  	v3 =	vadd.f32 v4, v3;
	_ =	sdelay $0x1  }
0x92: {  	[tilespmem:s8+$0x10] =	vst v3  }
0x93: {  	v3 =	vld [tilespmem:s28+$0xCE00];
	_ =	sdelay $0x1  }
0x94: {  	v6 =	vld [tilespmem:s28+$0xCE10]  }
0x95: {  	v5 =	vld [tilespmem:s28+$0xCE20];
	_ =	sdelay $0x1  }
0x96: {  	s29 =	simm.s32 $0x8E00;
	s9 =	simm.s32 $0x100;
	s26 =	simm.s32 $0x1CE30;
	v4 =	vld [tilespmem:s28+$0xCE30];
	v3 =	vmul.f32 v3, v7  }
.LBB2_2:
0x97: {  	p0 =	sne.s32 s9, $0x7F00  }
0x98: {  	v0 =	vmul.f32 v6, v0;
	s8 =	sadd.s32 $0x60, s8;
	s28 =	smov.u32 s9;
	s9 =	sadd.s32 $0x100, s9  }
0x99: {  	v2 =	vmul.f32 v5, v2  }
0x9a: {  	v0 =	vadd.f32 v0, v3;
	_ =	sdelay $0x1  }
0x9b: {  	v1 =	vmul.f32 v4, v1;
	v0 =	vadd.f32 v2, v0;
	_ =	sdelay $0x1  }
0x9c: {  	v0 =	vadd.f32 v1, v0;
	_ =	sdelay $0x1  }
0x9d: {  	s28 =	sshra.s32 s28, $0x2;
	[tilespmem:s26+$0x20] =	vst v0;
	s26 =	smov.u32 s8  }
0x9e: {  	v0 =	vld [tilespmem:s28+$0xE10]  }
0x9f: {  	v4 =	vld [tilespmem:s28+$0x2E10]  }
0xa0: {  	v3 =	vld [tilespmem:s28+$0xE00]  }
0xa1: {  	v5 =	vld [tilespmem:s28+$0x2E00]  }
0xa2: {  	v6 =	vld [tilespmem:s28+$0x2E20]  }
0xa3: {  	v2 =	vld [tilespmem:s28+$0xE20]  }
0xa4: {  	v7 =	vld [tilespmem:s28+$0x2E30]  }
0xa5: {  	v1 =	vld [tilespmem:s28+$0xE30]  }
0xa6: {  	v4 =	vmul.f32 v4, v0;
	v5 =	vmul.f32 v5, v3;
	_ =	sdelay $0x1  }
0xa7: {  	v4 =	vadd.f32 v4, v5;
	v5 =	vmul.f32 v6, v2;
	_ =	sdelay $0x1  }
0xa8: {  	v4 =	vadd.f32 v5, v4;
	v5 =	vmul.f32 v7, v1;
	_ =	sdelay $0x1  }
0xa9: {  	v4 =	vadd.f32 v5, v4;
	_ =	sdelay $0x1  }
0xaa: {  	[tilespmem:s8+$0xFFFFFFD0] =	vst v4  }
0xab: {  	v4 =	vld [tilespmem:s28+$0x4E00]  }
0xac: {  	v5 =	vld [tilespmem:s28+$0x4E10];
	_ =	sdelay $0x1  }
0xad: {  	v6 =	vld [tilespmem:s28+$0x4E20];
	_ =	sdelay $0x1  }
0xae: {  	v4 =	vmul.f32 v4, v3;
	v7 =	vld [tilespmem:s28+$0x4E30]  }
0xaf: {  	v5 =	vmul.f32 v5, v0;
	_ =	sdelay $0x1  }
0xb0: {  	v4 =	vadd.f32 v5, v4;
	v5 =	vmul.f32 v6, v2;
	_ =	sdelay $0x1  }
0xb1: {  	v4 =	vadd.f32 v5, v4;
	v5 =	vmul.f32 v7, v1;
	_ =	sdelay $0x1  }
0xb2: {  	v4 =	vadd.f32 v5, v4;
	_ =	sdelay $0x1  }
0xb3: {  	[tilespmem:s8+$0xFFFFFFE0] =	vst v4  }
0xb4: {  	v4 =	vld [tilespmem:s28+$0x6E00]  }
0xb5: {  	v5 =	vld [tilespmem:s28+$0x6E10];
	_ =	sdelay $0x1  }
0xb6: {  	v6 =	vld [tilespmem:s28+$0x6E20];
	_ =	sdelay $0x1  }
0xb7: {  	v4 =	vmul.f32 v4, v3;
	v7 =	vld [tilespmem:s28+$0x6E30]  }
0xb8: {  	v5 =	vmul.f32 v5, v0;
	_ =	sdelay $0x1  }
0xb9: {  	v4 =	vadd.f32 v5, v4;
	v5 =	vmul.f32 v6, v2;
	_ =	sdelay $0x1  }
0xba: {  	v4 =	vadd.f32 v5, v4;
	v5 =	vmul.f32 v7, v1;
	_ =	sdelay $0x1  }
0xbb: {  	v4 =	vadd.f32 v5, v4;
	_ =	sdelay $0x1  }
0xbc: {  	[tilespmem:s8+$0xFFFFFFF0] =	vst v4  }
0xbd: {  	v4 =	vld [tilespmem:s28+$0x8E00]  }
0xbe: {  	v5 =	vld [tilespmem:s28+$0x8E10]  }
0xbf: {  	v6 =	vld [tilespmem:s28+$0x8E30]  }
0xc0: {  	v7 =	vld [tilespmem:s28+$0x8E20];
	_ =	sdelay $0x1  }
0xc1: {  	v4 =	vmul.f32 v4, v3  }
0xc2: {  	v5 =	vmul.f32 v5, v0;
	_ =	sdelay $0x1  }
0xc3: {  	v4 =	vadd.f32 v5, v4;
	v5 =	vmul.f32 v7, v2;
	_ =	sdelay $0x1  }
0xc4: {  	v4 =	vadd.f32 v5, v4;
	v5 =	vmul.f32 v6, v1;
	_ =	sdelay $0x1  }
0xc5: {  	v4 =	vadd.f32 v5, v4;
	_ =	sdelay $0x1  }
0xc6: {  	[tilespmem:s8+$0x0] =	vst v4  }
0xc7: {  	v4 =	vld [tilespmem:s28+$0xAE00]  }
0xc8: {  	v5 =	vld [tilespmem:s28+$0xAE10]  }
0xc9: {  	v6 =	vld [tilespmem:s28+$0xAE20]  }
0xca: {  	v7 =	vld [tilespmem:s28+$0xAE30];
	_ =	sdelay $0x1  }
0xcb: {  	v4 =	vmul.f32 v4, v3  }
0xcc: {  	v5 =	vmul.f32 v5, v0  }
0xcd: {  	v6 =	vmul.f32 v6, v2  }
0xce: {  	v4 =	vadd.f32 v5, v4;
	_ =	sdelay $0x1  }
0xcf: {  	v5 =	vmul.f32 v7, v1;
	v4 =	vadd.f32 v6, v4;
	_ =	sdelay $0x1  }
0xd0: {  	v4 =	vadd.f32 v5, v4;
	_ =	sdelay $0x1  }
0xd1: {  	[tilespmem:s8+$0x10] =	vst v4  }
0xd2: {  	v7 =	vld [tilespmem:s28+$0xCE00]  }
.Ltmp0:
0xd3: {  	v6 =	vld [tilespmem:s28+$0xCE10];
	(pc) =	sbr.rel @p0 .LBB2_2-.Ltmp0, $3  }
0xd4: {  	v5 =	vld [tilespmem:s28+$0xCE20]  }
0xd5: {  	v4 =	vld [tilespmem:s28+$0xCE30];
	_ =	sdelay $0x1  }
0xd6: {  	v3 =	vmul.f32 v7, v3  }
0xd7: {  	v0 =	vmul.f32 v6, v0;
	_ =	sdelay $0x1  }
0xd8: {  	v2 =	vmul.f32 v5, v2;
	v0 =	vadd.f32 v0, v3;
	_ =	sdelay $0x1  }
0xd9: {  	v1 =	vmul.f32 v4, v1;
	v0 =	vadd.f32 v2, v0;
	_ =	sdelay $0x1  }
0xda: {  	v0 =	vadd.f32 v1, v0;
	_ =	sdelay $0x1  }
0xdb: {  	s8 =	simm.s32 $0x0;
	[tilespmem:s26+$0x20] =	vst v0  }
0xdc: {  	[hbm4b:s11+s8] =	stream.linear.scatter [tilespmem:s23], [sflag:$0x3], $0x3000, $0x38;
	[tilespmem:$0x1FE00] =	vst v63  }
0xdd: {  	_ =	swait.ge [sflag:s17], $0x3000  }
0xde: {  	[sflag:s17] =	ssyncset.done $0x0  }
0xdf: {  	[sflag:s17] =	ssyncadd.s32 $0xFFFFD000  }
0xe0: {  	_ =	swait.ge [sflag:s7], $0x2000  }
0xe1: {  	[sflag:s7] =	ssyncset.done $0x0  }
0xe2: {  	[sflag:s7] =	ssyncadd.s32 $0xFFFFE000  }
0xe3: {  	_ =	swait.ge [sflag:s7], $0x2000  }
0xe4: {  	[sflag:s7] =	ssyncset.done $0x0  }
0xe5: {  	[sflag:s7] =	ssyncadd.s32 $0xFFFFE000  }
0xe6: {  	_ =	swait.ge [sflag:s7], $0x2000  }
0xe7: {  	[sflag:s7] =	ssyncset.done $0x0  }
0xe8: {  	[sflag:s7] =	ssyncadd.s32 $0xFFFFE000  }
0xe9: {  	_ =	swait.ge [sflag:s7], $0x2000  }
0xea: {  	[sflag:s7] =	ssyncset.done $0x0  }
0xeb: {  	[sflag:s7] =	ssyncadd.s32 $0xFFFFE000  }
0xec: {  	_ =	swait.ge [sflag:s7], $0x2000  }
0xed: {  	[sflag:s7] =	ssyncset.done $0x0  }
0xee: {  	[sflag:s7] =	ssyncadd.s32 $0xFFFFE000  }
0xef: {  	_ =	swait.ge [sflag:s7], $0x2000  }
0xf0: {  	[sflag:s7] =	ssyncset.done $0x0  }
0xf1: {  	[sflag:s7] =	ssyncadd.s32 $0xFFFFE000  }
0xf2: {  	_ =	swait.ge [sflag:s7], $0x2000  }
0xf3: {  	[sflag:s7] =	ssyncset.done $0x0  }
0xf4: {  	s10 =	simm.s32 $0xE00;
	s9 =	simm.s32 $0x100;
	[sflag:s7] =	ssyncadd.s32 $0xFFFFE000  }
0xf5: {  	[tilespmem:s10], [sflag:$0x1] =	stream.indirect.gather [hbm4b:s3+s24], $0x40, s9, s24, $0xb8;
	[tilespmem:$0x1FE00] =	vst v63  }
0xf6: {  	s26 =	simm.s32 $0x300  }
0xf7: {  	[tilespmem:s30], [sflag:$0x1] =	stream.indirect.gather [hbm4b:s4+s24], $0x40, s26, s24, $0xb8;
	[tilespmem:$0x1FE00] =	vst v63  }
0xf8: {  	s28 =	simm.s32 $0x4E00;
	s30 =	simm.s32 $0x500  }
0xf9: {  	[tilespmem:s28], [sflag:$0x1] =	stream.indirect.gather [hbm4b:s4+s24], $0x40, s30, s24, $0xb8;
	[tilespmem:$0x1FE00] =	vst v63  }
0xfa: {  	s10 =	simm.s32 $0x6E00;
	s26 =	simm.s32 $0x700  }
0xfb: {  	[tilespmem:s10], [sflag:$0x1] =	stream.indirect.gather [hbm4b:s4+s24], $0x40, s26, s24, $0xb8;
	[tilespmem:$0x1FE00] =	vst v63  }
0xfc: {  	s28 =	simm.s32 $0x900  }
0xfd: {  	[tilespmem:s29], [sflag:$0x1] =	stream.indirect.gather [hbm4b:s4+s24], $0x40, s28, s24, $0xb8;
	[tilespmem:$0x1FE00] =	vst v63  }
0xfe: {  	s29 =	simm.s32 $0xB00  }
0xff: {  	[tilespmem:s31], [sflag:$0x1] =	stream.indirect.gather [hbm4b:s4+s24], $0x40, s29, s24, $0xb8;
	[tilespmem:$0x1FE00] =	vst v63  }
0x100: {  	s30 =	simm.s32 $0xD00;
	s31 =	simm.s32 $0x0  }
0x101: {  	[tilespmem:s0], [sflag:$0x1] =	stream.indirect.gather [hbm4b:s4+s24], $0x40, s30, s24, $0xb8;
	[tilespmem:$0x1FE00] =	vst v63  }
0x102: {  	v0 =	vld [tilespmem:s31+$0xEE10]  }
0x103: {  	v3 =	vld [tilespmem:s31+$0x10E10]  }
0x104: {  	v7 =	vld [tilespmem:s31+$0xEE00]  }
0x105: {  	v4 =	vld [tilespmem:s31+$0x10E00]  }
0x106: {  	v5 =	vld [tilespmem:s31+$0x10E20]  }
0x107: {  	v2 =	vld [tilespmem:s31+$0xEE20]  }
0x108: {  	v6 =	vld [tilespmem:s31+$0x10E30]  }
0x109: {  	v1 =	vld [tilespmem:s31+$0xEE30]  }
0x10a: {  	v4 =	vmul.f32 v4, v7;
	v3 =	vmul.f32 v3, v0;
	_ =	sdelay $0x1  }
0x10b: {  	v3 =	vadd.f32 v3, v4;
	v4 =	vmul.f32 v5, v2;
	_ =	sdelay $0x1  }
0x10c: {  	v3 =	vadd.f32 v4, v3;
	v4 =	vmul.f32 v6, v1;
	_ =	sdelay $0x1  }
0x10d: {  	v3 =	vadd.f32 v4, v3  }
0x10e: {  	s8 =	simm.s32 $0x1CE30  }
0x10f: {  	[tilespmem:s8+$0xFFFFFFD0] =	vst v3  }
0x110: {  	v3 =	vld [tilespmem:s31+$0x12E00]  }
0x111: {  	v4 =	vld [tilespmem:s31+$0x12E10];
	_ =	sdelay $0x1  }
0x112: {  	v5 =	vld [tilespmem:s31+$0x12E20];
	_ =	sdelay $0x1  }
0x113: {  	v6 =	vld [tilespmem:s31+$0x12E30]  }
0x114: {  	v3 =	vmul.f32 v3, v7;
	v4 =	vmul.f32 v4, v0;
	_ =	sdelay $0x1  }
0x115: {  	v3 =	vadd.f32 v4, v3;
	v4 =	vmul.f32 v5, v2;
	_ =	sdelay $0x1  }
0x116: {  	v3 =	vadd.f32 v4, v3;
	v4 =	vmul.f32 v6, v1;
	_ =	sdelay $0x1  }
0x117: {  	v3 =	vadd.f32 v4, v3;
	_ =	sdelay $0x1  }
0x118: {  	[tilespmem:s8+$0xFFFFFFE0] =	vst v3  }
0x119: {  	v3 =	vld [tilespmem:s31+$0x14E00]  }
0x11a: {  	v4 =	vld [tilespmem:s31+$0x14E10];
	_ =	sdelay $0x1  }
0x11b: {  	v5 =	vld [tilespmem:s31+$0x14E20];
	_ =	sdelay $0x1  }
0x11c: {  	v6 =	vld [tilespmem:s31+$0x14E30]  }
0x11d: {  	v3 =	vmul.f32 v3, v7;
	v4 =	vmul.f32 v4, v0;
	_ =	sdelay $0x1  }
0x11e: {  	v3 =	vadd.f32 v4, v3;
	v4 =	vmul.f32 v5, v2;
	_ =	sdelay $0x1  }
0x11f: {  	v3 =	vadd.f32 v4, v3;
	v4 =	vmul.f32 v6, v1;
	_ =	sdelay $0x1  }
0x120: {  	v3 =	vadd.f32 v4, v3;
	_ =	sdelay $0x1  }
0x121: {  	[tilespmem:s8+$0xFFFFFFF0] =	vst v3  }
0x122: {  	v3 =	vld [tilespmem:s31+$0x16E00]  }
0x123: {  	v4 =	vld [tilespmem:s31+$0x16E10];
	_ =	sdelay $0x1  }
0x124: {  	v5 =	vld [tilespmem:s31+$0x16E20];
	_ =	sdelay $0x1  }
0x125: {  	v6 =	vld [tilespmem:s31+$0x16E30]  }
0x126: {  	v3 =	vmul.f32 v3, v7;
	v4 =	vmul.f32 v4, v0;
	_ =	sdelay $0x1  }
0x127: {  	v3 =	vadd.f32 v4, v3;
	v4 =	vmul.f32 v5, v2;
	_ =	sdelay $0x1  }
0x128: {  	v3 =	vadd.f32 v4, v3;
	v4 =	vmul.f32 v6, v1;
	_ =	sdelay $0x1  }
0x129: {  	v3 =	vadd.f32 v4, v3;
	_ =	sdelay $0x1  }
0x12a: {  	[tilespmem:s8+$0x0] =	vst v3  }
0x12b: {  	v3 =	vld [tilespmem:s31+$0x18E00]  }
0x12c: {  	v4 =	vld [tilespmem:s31+$0x18E10];
	_ =	sdelay $0x1  }
0x12d: {  	v5 =	vld [tilespmem:s31+$0x18E20];
	_ =	sdelay $0x1  }
0x12e: {  	v6 =	vld [tilespmem:s31+$0x18E30]  }
0x12f: {  	v3 =	vmul.f32 v3, v7;
	v4 =	vmul.f32 v4, v0;
	_ =	sdelay $0x1  }
0x130: {  	v5 =	vmul.f32 v5, v2;
	v3 =	vadd.f32 v4, v3;
	_ =	sdelay $0x1  }
0x131: {  	v4 =	vmul.f32 v6, v1;
	v3 =	vadd.f32 v5, v3;
	_ =	sdelay $0x1  }
0x132: {  	v3 =	vadd.f32 v4, v3;
	_ =	sdelay $0x1  }
0x133: {  	[tilespmem:s8+$0x10] =	vst v3  }
0x134: {  	v3 =	vld [tilespmem:s31+$0x1AE00];
	_ =	sdelay $0x1  }
0x135: {  	v6 =	vld [tilespmem:s31+$0x1AE10]  }
0x136: {  	v5 =	vld [tilespmem:s31+$0x1AE20];
	_ =	sdelay $0x1  }
0x137: {  	s9 =	simm.s32 $0x100;
	s26 =	simm.s32 $0x1CE30;
	v4 =	vld [tilespmem:s31+$0x1AE30];
	v3 =	vmul.f32 v3, v7  }
.LBB2_4:
0x138: {  	p0 =	sne.s32 s9, $0x7F00  }
0x139: {  	v0 =	vmul.f32 v6, v0;
	s8 =	sadd.s32 $0x60, s8;
	s28 =	smov.u32 s9;
	s9 =	sadd.s32 $0x100, s9  }
0x13a: {  	v2 =	vmul.f32 v5, v2  }
0x13b: {  	v0 =	vadd.f32 v0, v3;
	_ =	sdelay $0x1  }
0x13c: {  	v1 =	vmul.f32 v4, v1;
	v0 =	vadd.f32 v2, v0;
	_ =	sdelay $0x1  }
0x13d: {  	v0 =	vadd.f32 v1, v0;
	_ =	sdelay $0x1  }
0x13e: {  	s28 =	sshra.s32 s28, $0x2;
	[tilespmem:s26+$0x20] =	vst v0;
	s26 =	smov.u32 s8  }
0x13f: {  	v0 =	vld [tilespmem:s28+$0xEE10]  }
0x140: {  	v4 =	vld [tilespmem:s28+$0x10E10]  }
0x141: {  	v3 =	vld [tilespmem:s28+$0xEE00]  }
0x142: {  	v5 =	vld [tilespmem:s28+$0x10E00]  }
0x143: {  	v6 =	vld [tilespmem:s28+$0x10E20]  }
0x144: {  	v2 =	vld [tilespmem:s28+$0xEE20]  }
0x145: {  	v7 =	vld [tilespmem:s28+$0x10E30]  }
0x146: {  	v1 =	vld [tilespmem:s28+$0xEE30]  }
0x147: {  	v4 =	vmul.f32 v4, v0;
	v5 =	vmul.f32 v5, v3;
	_ =	sdelay $0x1  }
0x148: {  	v4 =	vadd.f32 v4, v5;
	v5 =	vmul.f32 v6, v2;
	_ =	sdelay $0x1  }
0x149: {  	v4 =	vadd.f32 v5, v4;
	v5 =	vmul.f32 v7, v1;
	_ =	sdelay $0x1  }
0x14a: {  	v4 =	vadd.f32 v5, v4;
	_ =	sdelay $0x1  }
0x14b: {  	[tilespmem:s8+$0xFFFFFFD0] =	vst v4  }
0x14c: {  	v4 =	vld [tilespmem:s28+$0x12E00]  }
0x14d: {  	v5 =	vld [tilespmem:s28+$0x12E10];
	_ =	sdelay $0x1  }
0x14e: {  	v6 =	vld [tilespmem:s28+$0x12E20];
	_ =	sdelay $0x1  }
0x14f: {  	v4 =	vmul.f32 v4, v3;
	v7 =	vld [tilespmem:s28+$0x12E30]  }
0x150: {  	v5 =	vmul.f32 v5, v0;
	_ =	sdelay $0x1  }
0x151: {  	v4 =	vadd.f32 v5, v4;
	v5 =	vmul.f32 v6, v2;
	_ =	sdelay $0x1  }
0x152: {  	v4 =	vadd.f32 v5, v4;
	v5 =	vmul.f32 v7, v1;
	_ =	sdelay $0x1  }
0x153: {  	v4 =	vadd.f32 v5, v4;
	_ =	sdelay $0x1  }
0x154: {  	[tilespmem:s8+$0xFFFFFFE0] =	vst v4  }
0x155: {  	v4 =	vld [tilespmem:s28+$0x14E00]  }
0x156: {  	v5 =	vld [tilespmem:s28+$0x14E10];
	_ =	sdelay $0x1  }
0x157: {  	v6 =	vld [tilespmem:s28+$0x14E20];
	_ =	sdelay $0x1  }
0x158: {  	v4 =	vmul.f32 v4, v3;
	v7 =	vld [tilespmem:s28+$0x14E30]  }
0x159: {  	v5 =	vmul.f32 v5, v0;
	_ =	sdelay $0x1  }
0x15a: {  	v4 =	vadd.f32 v5, v4;
	v5 =	vmul.f32 v6, v2;
	_ =	sdelay $0x1  }
0x15b: {  	v4 =	vadd.f32 v5, v4;
	v5 =	vmul.f32 v7, v1;
	_ =	sdelay $0x1  }
0x15c: {  	v4 =	vadd.f32 v5, v4;
	_ =	sdelay $0x1  }
0x15d: {  	[tilespmem:s8+$0xFFFFFFF0] =	vst v4  }
0x15e: {  	v4 =	vld [tilespmem:s28+$0x16E00]  }
0x15f: {  	v5 =	vld [tilespmem:s28+$0x16E10]  }
0x160: {  	v6 =	vld [tilespmem:s28+$0x16E30]  }
0x161: {  	v7 =	vld [tilespmem:s28+$0x16E20];
	_ =	sdelay $0x1  }
0x162: {  	v4 =	vmul.f32 v4, v3  }
0x163: {  	v5 =	vmul.f32 v5, v0;
	_ =	sdelay $0x1  }
0x164: {  	v4 =	vadd.f32 v5, v4;
	v5 =	vmul.f32 v7, v2;
	_ =	sdelay $0x1  }
0x165: {  	v4 =	vadd.f32 v5, v4;
	v5 =	vmul.f32 v6, v1;
	_ =	sdelay $0x1  }
0x166: {  	v4 =	vadd.f32 v5, v4;
	_ =	sdelay $0x1  }
0x167: {  	[tilespmem:s8+$0x0] =	vst v4  }
0x168: {  	v4 =	vld [tilespmem:s28+$0x18E00]  }
0x169: {  	v5 =	vld [tilespmem:s28+$0x18E10]  }
0x16a: {  	v6 =	vld [tilespmem:s28+$0x18E20]  }
0x16b: {  	v7 =	vld [tilespmem:s28+$0x18E30];
	_ =	sdelay $0x1  }
0x16c: {  	v4 =	vmul.f32 v4, v3  }
0x16d: {  	v5 =	vmul.f32 v5, v0  }
0x16e: {  	v6 =	vmul.f32 v6, v2  }
0x16f: {  	v4 =	vadd.f32 v5, v4;
	_ =	sdelay $0x1  }
0x170: {  	v5 =	vmul.f32 v7, v1;
	v4 =	vadd.f32 v6, v4;
	_ =	sdelay $0x1  }
0x171: {  	v4 =	vadd.f32 v5, v4;
	_ =	sdelay $0x1  }
0x172: {  	[tilespmem:s8+$0x10] =	vst v4  }
0x173: {  	v7 =	vld [tilespmem:s28+$0x1AE00]  }
.Ltmp1:
0x174: {  	v6 =	vld [tilespmem:s28+$0x1AE10];
	(pc) =	sbr.rel @p0 .LBB2_4-.Ltmp1, $3  }
0x175: {  	v5 =	vld [tilespmem:s28+$0x1AE20]  }
0x176: {  	v4 =	vld [tilespmem:s28+$0x1AE30];
	_ =	sdelay $0x1  }
0x177: {  	v3 =	vmul.f32 v7, v3  }
0x178: {  	v0 =	vmul.f32 v6, v0;
	_ =	sdelay $0x1  }
0x179: {  	v2 =	vmul.f32 v5, v2;
	v0 =	vadd.f32 v0, v3;
	_ =	sdelay $0x1  }
0x17a: {  	v1 =	vmul.f32 v4, v1;
	v0 =	vadd.f32 v2, v0;
	_ =	sdelay $0x1  }
0x17b: {  	v0 =	vadd.f32 v1, v0;
	_ =	sdelay $0x1  }
0x17c: {  	s8 =	simm.s32 $0x0;
	[tilespmem:s26+$0x20] =	vst v0  }
0x17d: {  	[hbm4b:s13+s8] =	stream.linear.scatter [tilespmem:s23], [sflag:$0x3], $0x3000, $0x38;
	[tilespmem:$0x1FE00] =	vst v63  }
0x17e: {  	_ =	swait.ge [sflag:s17], $0x3000  }
0x17f: {  	[sflag:s17] =	ssyncset.done $0x0  }
0x180: {  	[sflag:s17] =	ssyncadd.s32 $0xFFFFD000  }
0x181: {  	_ =	swait.ge [sflag:s1], $0x2000  }
0x182: {  	[sflag:s1] =	ssyncset.done $0x0  }
0x183: {  	[sflag:s1] =	ssyncadd.s32 $0xFFFFE000  }
0x184: {  	_ =	swait.ge [sflag:s1], $0x2000  }
0x185: {  	[sflag:s1] =	ssyncset.done $0x0  }
0x186: {  	[sflag:s1] =	ssyncadd.s32 $0xFFFFE000  }
0x187: {  	_ =	swait.ge [sflag:s1], $0x2000  }
0x188: {  	[sflag:s1] =	ssyncset.done $0x0  }
0x189: {  	[sflag:s1] =	ssyncadd.s32 $0xFFFFE000  }
0x18a: {  	_ =	swait.ge [sflag:s1], $0x2000  }
0x18b: {  	[sflag:s1] =	ssyncset.done $0x0  }
0x18c: {  	[sflag:s1] =	ssyncadd.s32 $0xFFFFE000  }
0x18d: {  	_ =	swait.ge [sflag:s1], $0x2000  }
0x18e: {  	[sflag:s1] =	ssyncset.done $0x0  }
0x18f: {  	[sflag:s1] =	ssyncadd.s32 $0xFFFFE000  }
0x190: {  	_ =	swait.ge [sflag:s1], $0x2000  }
0x191: {  	[sflag:s1] =	ssyncset.done $0x0  }
0x192: {  	[sflag:s1] =	ssyncadd.s32 $0xFFFFE000  }
0x193: {  	_ =	swait.ge [sflag:s1], $0x2000  }
0x194: {  	[sflag:s1] =	ssyncset.done $0x0  }
0x195: {  	s31 =	simm.s32 $0x180;
	[sflag:s1] =	ssyncadd.s32 $0xFFFFE000  }
0x196: {  	[tilespmem:s18], [sflag:$0x2] =	stream.indirect.gather [hbm4b:s3+s24], $0x40, s31, s24, $0xb8;
	[tilespmem:$0x1FE00] =	vst v63  }
0x197: {  	s9 =	simm.s32 $0x380  }
0x198: {  	[tilespmem:s19], [sflag:$0x2] =	stream.indirect.gather [hbm4b:s4+s24], $0x40, s9, s24, $0xb8;
	[tilespmem:$0x1FE00] =	vst v63  }
0x199: {  	s10 =	simm.s32 $0x580  }
0x19a: {  	[tilespmem:s20], [sflag:$0x2] =	stream.indirect.gather [hbm4b:s4+s24], $0x40, s10, s24, $0xb8;
	[tilespmem:$0x1FE00] =	vst v63  }
0x19b: {  	s26 =	simm.s32 $0x780  }
0x19c: {  	[tilespmem:s5], [sflag:$0x2] =	stream.indirect.gather [hbm4b:s4+s24], $0x40, s26, s24, $0xb8;
	[tilespmem:$0x1FE00] =	vst v63  }
0x19d: {  	s28 =	simm.s32 $0x980  }
0x19e: {  	[tilespmem:s21], [sflag:$0x2] =	stream.indirect.gather [hbm4b:s4+s24], $0x40, s28, s24, $0xb8;
	[tilespmem:$0x1FE00] =	vst v63  }
0x19f: {  	s29 =	simm.s32 $0xB80  }
0x1a0: {  	[tilespmem:s22], [sflag:$0x2] =	stream.indirect.gather [hbm4b:s4+s24], $0x40, s29, s24, $0xb8;
	[tilespmem:$0x1FE00] =	vst v63  }
0x1a1: {  	s30 =	simm.s32 $0xD80;
	s31 =	simm.s32 $0x0  }
0x1a2: {  	[tilespmem:s6], [sflag:$0x2] =	stream.indirect.gather [hbm4b:s4+s24], $0x40, s30, s24, $0xb8;
	[tilespmem:$0x1FE00] =	vst v63  }
0x1a3: {  	v0 =	vld [tilespmem:s31+$0xE10]  }
0x1a4: {  	v3 =	vld [tilespmem:s31+$0x2E10]  }
0x1a5: {  	v7 =	vld [tilespmem:s31+$0xE00]  }
0x1a6: {  	v4 =	vld [tilespmem:s31+$0x2E00]  }
0x1a7: {  	v5 =	vld [tilespmem:s31+$0x2E20]  }
0x1a8: {  	v2 =	vld [tilespmem:s31+$0xE20]  }
0x1a9: {  	v6 =	vld [tilespmem:s31+$0x2E30]  }
0x1aa: {  	v1 =	vld [tilespmem:s31+$0xE30]  }
0x1ab: {  	v4 =	vmul.f32 v4, v7;
	v3 =	vmul.f32 v3, v0;
	_ =	sdelay $0x1  }
0x1ac: {  	v3 =	vadd.f32 v3, v4;
	v4 =	vmul.f32 v5, v2;
	_ =	sdelay $0x1  }
0x1ad: {  	v3 =	vadd.f32 v4, v3;
	v4 =	vmul.f32 v6, v1;
	_ =	sdelay $0x1  }
0x1ae: {  	v3 =	vadd.f32 v4, v3  }
0x1af: {  	s8 =	simm.s32 $0x1CE30  }
0x1b0: {  	[tilespmem:s8+$0xFFFFFFD0] =	vst v3  }
0x1b1: {  	v3 =	vld [tilespmem:s31+$0x4E00]  }
0x1b2: {  	v4 =	vld [tilespmem:s31+$0x4E10];
	_ =	sdelay $0x1  }
0x1b3: {  	v5 =	vld [tilespmem:s31+$0x4E20];
	_ =	sdelay $0x1  }
0x1b4: {  	v6 =	vld [tilespmem:s31+$0x4E30]  }
0x1b5: {  	v3 =	vmul.f32 v3, v7;
	v4 =	vmul.f32 v4, v0;
	_ =	sdelay $0x1  }
0x1b6: {  	v3 =	vadd.f32 v4, v3;
	v4 =	vmul.f32 v5, v2;
	_ =	sdelay $0x1  }
0x1b7: {  	v3 =	vadd.f32 v4, v3;
	v4 =	vmul.f32 v6, v1;
	_ =	sdelay $0x1  }
0x1b8: {  	v3 =	vadd.f32 v4, v3;
	_ =	sdelay $0x1  }
0x1b9: {  	[tilespmem:s8+$0xFFFFFFE0] =	vst v3  }
0x1ba: {  	v3 =	vld [tilespmem:s31+$0x6E00]  }
0x1bb: {  	v4 =	vld [tilespmem:s31+$0x6E10];
	_ =	sdelay $0x1  }
0x1bc: {  	v5 =	vld [tilespmem:s31+$0x6E20];
	_ =	sdelay $0x1  }
0x1bd: {  	v6 =	vld [tilespmem:s31+$0x6E30]  }
0x1be: {  	v3 =	vmul.f32 v3, v7;
	v4 =	vmul.f32 v4, v0;
	_ =	sdelay $0x1  }
0x1bf: {  	v3 =	vadd.f32 v4, v3;
	v4 =	vmul.f32 v5, v2;
	_ =	sdelay $0x1  }
0x1c0: {  	v3 =	vadd.f32 v4, v3;
	v4 =	vmul.f32 v6, v1;
	_ =	sdelay $0x1  }
0x1c1: {  	v3 =	vadd.f32 v4, v3;
	_ =	sdelay $0x1  }
0x1c2: {  	[tilespmem:s8+$0xFFFFFFF0] =	vst v3  }
0x1c3: {  	v3 =	vld [tilespmem:s31+$0x8E00]  }
0x1c4: {  	v4 =	vld [tilespmem:s31+$0x8E10];
	_ =	sdelay $0x1  }
0x1c5: {  	v5 =	vld [tilespmem:s31+$0x8E20];
	_ =	sdelay $0x1  }
0x1c6: {  	v6 =	vld [tilespmem:s31+$0x8E30]  }
0x1c7: {  	v3 =	vmul.f32 v3, v7;
	v4 =	vmul.f32 v4, v0;
	_ =	sdelay $0x1  }
0x1c8: {  	v3 =	vadd.f32 v4, v3;
	v4 =	vmul.f32 v5, v2;
	_ =	sdelay $0x1  }
0x1c9: {  	v3 =	vadd.f32 v4, v3;
	v4 =	vmul.f32 v6, v1;
	_ =	sdelay $0x1  }
0x1ca: {  	v3 =	vadd.f32 v4, v3;
	_ =	sdelay $0x1  }
0x1cb: {  	[tilespmem:s8+$0x0] =	vst v3  }
0x1cc: {  	v3 =	vld [tilespmem:s31+$0xAE00]  }
0x1cd: {  	v4 =	vld [tilespmem:s31+$0xAE10];
	_ =	sdelay $0x1  }
0x1ce: {  	v5 =	vld [tilespmem:s31+$0xAE20];
	_ =	sdelay $0x1  }
0x1cf: {  	v6 =	vld [tilespmem:s31+$0xAE30]  }
0x1d0: {  	v3 =	vmul.f32 v3, v7;
	v4 =	vmul.f32 v4, v0;
	_ =	sdelay $0x1  }
0x1d1: {  	v5 =	vmul.f32 v5, v2;
	v3 =	vadd.f32 v4, v3;
	_ =	sdelay $0x1  }
0x1d2: {  	v4 =	vmul.f32 v6, v1;
	v3 =	vadd.f32 v5, v3;
	_ =	sdelay $0x1  }
0x1d3: {  	v3 =	vadd.f32 v4, v3;
	_ =	sdelay $0x1  }
0x1d4: {  	[tilespmem:s8+$0x10] =	vst v3  }
0x1d5: {  	v3 =	vld [tilespmem:s31+$0xCE00];
	_ =	sdelay $0x1  }
0x1d6: {  	v6 =	vld [tilespmem:s31+$0xCE10]  }
0x1d7: {  	v5 =	vld [tilespmem:s31+$0xCE20];
	_ =	sdelay $0x1  }
0x1d8: {  	s9 =	simm.s32 $0x100;
	s26 =	simm.s32 $0x1CE30;
	v4 =	vld [tilespmem:s31+$0xCE30];
	v3 =	vmul.f32 v3, v7  }
.LBB2_6:
0x1d9: {  	p0 =	sne.s32 s9, $0x7F00  }
0x1da: {  	v0 =	vmul.f32 v6, v0;
	s8 =	sadd.s32 $0x60, s8;
	s28 =	smov.u32 s9;
	s9 =	sadd.s32 $0x100, s9  }
0x1db: {  	v2 =	vmul.f32 v5, v2  }
0x1dc: {  	v0 =	vadd.f32 v0, v3;
	_ =	sdelay $0x1  }
0x1dd: {  	v1 =	vmul.f32 v4, v1;
	v0 =	vadd.f32 v2, v0;
	_ =	sdelay $0x1  }
0x1de: {  	v0 =	vadd.f32 v1, v0;
	_ =	sdelay $0x1  }
0x1df: {  	s28 =	sshra.s32 s28, $0x2;
	[tilespmem:s26+$0x20] =	vst v0;
	s26 =	smov.u32 s8  }
0x1e0: {  	v0 =	vld [tilespmem:s28+$0xE10]  }
0x1e1: {  	v4 =	vld [tilespmem:s28+$0x2E10]  }
0x1e2: {  	v3 =	vld [tilespmem:s28+$0xE00]  }
0x1e3: {  	v5 =	vld [tilespmem:s28+$0x2E00]  }
0x1e4: {  	v6 =	vld [tilespmem:s28+$0x2E20]  }
0x1e5: {  	v2 =	vld [tilespmem:s28+$0xE20]  }
0x1e6: {  	v7 =	vld [tilespmem:s28+$0x2E30]  }
0x1e7: {  	v1 =	vld [tilespmem:s28+$0xE30]  }
0x1e8: {  	v4 =	vmul.f32 v4, v0;
	v5 =	vmul.f32 v5, v3;
	_ =	sdelay $0x1  }
0x1e9: {  	v4 =	vadd.f32 v4, v5;
	v5 =	vmul.f32 v6, v2;
	_ =	sdelay $0x1  }
0x1ea: {  	v4 =	vadd.f32 v5, v4;
	v5 =	vmul.f32 v7, v1;
	_ =	sdelay $0x1  }
0x1eb: {  	v4 =	vadd.f32 v5, v4;
	_ =	sdelay $0x1  }
0x1ec: {  	[tilespmem:s8+$0xFFFFFFD0] =	vst v4  }
0x1ed: {  	v4 =	vld [tilespmem:s28+$0x4E00]  }
0x1ee: {  	v5 =	vld [tilespmem:s28+$0x4E10];
	_ =	sdelay $0x1  }
0x1ef: {  	v6 =	vld [tilespmem:s28+$0x4E20];
	_ =	sdelay $0x1  }
0x1f0: {  	v4 =	vmul.f32 v4, v3;
	v7 =	vld [tilespmem:s28+$0x4E30]  }
0x1f1: {  	v5 =	vmul.f32 v5, v0;
	_ =	sdelay $0x1  }
0x1f2: {  	v4 =	vadd.f32 v5, v4;
	v5 =	vmul.f32 v6, v2;
	_ =	sdelay $0x1  }
0x1f3: {  	v4 =	vadd.f32 v5, v4;
	v5 =	vmul.f32 v7, v1;
	_ =	sdelay $0x1  }
0x1f4: {  	v4 =	vadd.f32 v5, v4;
	_ =	sdelay $0x1  }
0x1f5: {  	[tilespmem:s8+$0xFFFFFFE0] =	vst v4  }
0x1f6: {  	v4 =	vld [tilespmem:s28+$0x6E00]  }
0x1f7: {  	v5 =	vld [tilespmem:s28+$0x6E10];
	_ =	sdelay $0x1  }
0x1f8: {  	v6 =	vld [tilespmem:s28+$0x6E20];
	_ =	sdelay $0x1  }
0x1f9: {  	v4 =	vmul.f32 v4, v3;
	v7 =	vld [tilespmem:s28+$0x6E30]  }
0x1fa: {  	v5 =	vmul.f32 v5, v0;
	_ =	sdelay $0x1  }
0x1fb: {  	v4 =	vadd.f32 v5, v4;
	v5 =	vmul.f32 v6, v2;
	_ =	sdelay $0x1  }
0x1fc: {  	v4 =	vadd.f32 v5, v4;
	v5 =	vmul.f32 v7, v1;
	_ =	sdelay $0x1  }
0x1fd: {  	v4 =	vadd.f32 v5, v4;
	_ =	sdelay $0x1  }
0x1fe: {  	[tilespmem:s8+$0xFFFFFFF0] =	vst v4  }
0x1ff: {  	v4 =	vld [tilespmem:s28+$0x8E00]  }
0x200: {  	v5 =	vld [tilespmem:s28+$0x8E10]  }
0x201: {  	v6 =	vld [tilespmem:s28+$0x8E30]  }
0x202: {  	v7 =	vld [tilespmem:s28+$0x8E20];
	_ =	sdelay $0x1  }
0x203: {  	v4 =	vmul.f32 v4, v3  }
0x204: {  	v5 =	vmul.f32 v5, v0;
	_ =	sdelay $0x1  }
0x205: {  	v4 =	vadd.f32 v5, v4;
	v5 =	vmul.f32 v7, v2;
	_ =	sdelay $0x1  }
0x206: {  	v4 =	vadd.f32 v5, v4;
	v5 =	vmul.f32 v6, v1;
	_ =	sdelay $0x1  }
0x207: {  	v4 =	vadd.f32 v5, v4;
	_ =	sdelay $0x1  }
0x208: {  	[tilespmem:s8+$0x0] =	vst v4  }
0x209: {  	v4 =	vld [tilespmem:s28+$0xAE00]  }
0x20a: {  	v5 =	vld [tilespmem:s28+$0xAE10]  }
0x20b: {  	v6 =	vld [tilespmem:s28+$0xAE20]  }
0x20c: {  	v7 =	vld [tilespmem:s28+$0xAE30];
	_ =	sdelay $0x1  }
0x20d: {  	v4 =	vmul.f32 v4, v3  }
0x20e: {  	v5 =	vmul.f32 v5, v0  }
0x20f: {  	v6 =	vmul.f32 v6, v2  }
0x210: {  	v4 =	vadd.f32 v5, v4;
	_ =	sdelay $0x1  }
0x211: {  	v5 =	vmul.f32 v7, v1;
	v4 =	vadd.f32 v6, v4;
	_ =	sdelay $0x1  }
0x212: {  	v4 =	vadd.f32 v5, v4;
	_ =	sdelay $0x1  }
0x213: {  	[tilespmem:s8+$0x10] =	vst v4  }
0x214: {  	v7 =	vld [tilespmem:s28+$0xCE00]  }
.Ltmp2:
0x215: {  	v6 =	vld [tilespmem:s28+$0xCE10];
	(pc) =	sbr.rel @p0 .LBB2_6-.Ltmp2, $3  }
0x216: {  	v5 =	vld [tilespmem:s28+$0xCE20]  }
0x217: {  	v4 =	vld [tilespmem:s28+$0xCE30];
	_ =	sdelay $0x1  }
0x218: {  	v3 =	vmul.f32 v7, v3  }
0x219: {  	v0 =	vmul.f32 v6, v0;
	_ =	sdelay $0x1  }
0x21a: {  	v2 =	vmul.f32 v5, v2;
	v0 =	vadd.f32 v0, v3;
	_ =	sdelay $0x1  }
0x21b: {  	v1 =	vmul.f32 v4, v1;
	v0 =	vadd.f32 v2, v0;
	_ =	sdelay $0x1  }
0x21c: {  	v0 =	vadd.f32 v1, v0;
	_ =	sdelay $0x1  }
0x21d: {  	s8 =	simm.s32 $0x0;
	[tilespmem:s26+$0x20] =	vst v0  }
0x21e: {  	[hbm4b:s14+s8] =	stream.linear.scatter [tilespmem:s23], [sflag:$0x3], $0x3000, $0x38;
	[tilespmem:$0x1FE00] =	vst v63  }
0x21f: {  	_ =	swait.ge [sflag:s17], $0x3000  }
0x220: {  	[sflag:s17] =	ssyncset.done $0x0  }
0x221: {  	[sflag:s17] =	ssyncadd.s32 $0xFFFFD000  }
0x222: {  	_ =	swait.ge [sflag:s7], $0x2000  }
0x223: {  	[sflag:s7] =	ssyncset.done $0x0  }
0x224: {  	[sflag:s7] =	ssyncadd.s32 $0xFFFFE000  }
0x225: {  	_ =	swait.ge [sflag:s7], $0x2000  }
0x226: {  	[sflag:s7] =	ssyncset.done $0x0  }
0x227: {  	[sflag:s7] =	ssyncadd.s32 $0xFFFFE000  }
0x228: {  	_ =	swait.ge [sflag:s7], $0x2000  }
0x229: {  	[sflag:s7] =	ssyncset.done $0x0  }
0x22a: {  	[sflag:s7] =	ssyncadd.s32 $0xFFFFE000  }
0x22b: {  	_ =	swait.ge [sflag:s7], $0x2000  }
0x22c: {  	[sflag:s7] =	ssyncset.done $0x0  }
0x22d: {  	[sflag:s7] =	ssyncadd.s32 $0xFFFFE000  }
0x22e: {  	_ =	swait.ge [sflag:s7], $0x2000  }
0x22f: {  	[sflag:s7] =	ssyncset.done $0x0  }
0x230: {  	[sflag:s7] =	ssyncadd.s32 $0xFFFFE000  }
0x231: {  	_ =	swait.ge [sflag:s7], $0x2000  }
0x232: {  	[sflag:s7] =	ssyncset.done $0x0  }
0x233: {  	[sflag:s7] =	ssyncadd.s32 $0xFFFFE000  }
0x234: {  	_ =	swait.ge [sflag:s7], $0x2000  }
0x235: {  	[sflag:s7] =	ssyncset.done $0x0  }
0x236: {  	s31 =	simm.s32 $0x0;
	[sflag:s7] =	ssyncadd.s32 $0xFFFFE000  }
0x237: {  	v0 =	vld [tilespmem:s31+$0xEE10]  }
0x238: {  	v3 =	vld [tilespmem:s31+$0x10E10]  }
0x239: {  	v7 =	vld [tilespmem:s31+$0xEE00]  }
0x23a: {  	v4 =	vld [tilespmem:s31+$0x10E00]  }
0x23b: {  	v5 =	vld [tilespmem:s31+$0x10E20]  }
0x23c: {  	v2 =	vld [tilespmem:s31+$0xEE20]  }
0x23d: {  	v6 =	vld [tilespmem:s31+$0x10E30]  }
0x23e: {  	v1 =	vld [tilespmem:s31+$0xEE30]  }
0x23f: {  	v4 =	vmul.f32 v4, v7;
	v3 =	vmul.f32 v3, v0;
	_ =	sdelay $0x1  }
0x240: {  	v3 =	vadd.f32 v3, v4;
	v4 =	vmul.f32 v5, v2;
	_ =	sdelay $0x1  }
0x241: {  	v3 =	vadd.f32 v4, v3;
	v4 =	vmul.f32 v6, v1;
	_ =	sdelay $0x1  }
0x242: {  	v3 =	vadd.f32 v4, v3  }
0x243: {  	s8 =	simm.s32 $0x1CE30  }
0x244: {  	[tilespmem:s8+$0xFFFFFFD0] =	vst v3  }
0x245: {  	v3 =	vld [tilespmem:s31+$0x12E00]  }
0x246: {  	v4 =	vld [tilespmem:s31+$0x12E10];
	_ =	sdelay $0x1  }
0x247: {  	v5 =	vld [tilespmem:s31+$0x12E20];
	_ =	sdelay $0x1  }
0x248: {  	v6 =	vld [tilespmem:s31+$0x12E30]  }
0x249: {  	v3 =	vmul.f32 v3, v7;
	v4 =	vmul.f32 v4, v0;
	_ =	sdelay $0x1  }
0x24a: {  	v3 =	vadd.f32 v4, v3;
	v4 =	vmul.f32 v5, v2;
	_ =	sdelay $0x1  }
0x24b: {  	v3 =	vadd.f32 v4, v3;
	v4 =	vmul.f32 v6, v1;
	_ =	sdelay $0x1  }
0x24c: {  	v3 =	vadd.f32 v4, v3;
	_ =	sdelay $0x1  }
0x24d: {  	[tilespmem:s8+$0xFFFFFFE0] =	vst v3  }
0x24e: {  	v3 =	vld [tilespmem:s31+$0x14E00]  }
0x24f: {  	v4 =	vld [tilespmem:s31+$0x14E10];
	_ =	sdelay $0x1  }
0x250: {  	v5 =	vld [tilespmem:s31+$0x14E20];
	_ =	sdelay $0x1  }
0x251: {  	v6 =	vld [tilespmem:s31+$0x14E30]  }
0x252: {  	v3 =	vmul.f32 v3, v7;
	v4 =	vmul.f32 v4, v0;
	_ =	sdelay $0x1  }
0x253: {  	v3 =	vadd.f32 v4, v3;
	v4 =	vmul.f32 v5, v2;
	_ =	sdelay $0x1  }
0x254: {  	v3 =	vadd.f32 v4, v3;
	v4 =	vmul.f32 v6, v1;
	_ =	sdelay $0x1  }
0x255: {  	v3 =	vadd.f32 v4, v3;
	_ =	sdelay $0x1  }
0x256: {  	[tilespmem:s8+$0xFFFFFFF0] =	vst v3  }
0x257: {  	v3 =	vld [tilespmem:s31+$0x16E00]  }
0x258: {  	v4 =	vld [tilespmem:s31+$0x16E10];
	_ =	sdelay $0x1  }
0x259: {  	v5 =	vld [tilespmem:s31+$0x16E20];
	_ =	sdelay $0x1  }
0x25a: {  	v6 =	vld [tilespmem:s31+$0x16E30]  }
0x25b: {  	v3 =	vmul.f32 v3, v7;
	v4 =	vmul.f32 v4, v0;
	_ =	sdelay $0x1  }
0x25c: {  	v3 =	vadd.f32 v4, v3;
	v4 =	vmul.f32 v5, v2;
	_ =	sdelay $0x1  }
0x25d: {  	v3 =	vadd.f32 v4, v3;
	v4 =	vmul.f32 v6, v1;
	_ =	sdelay $0x1  }
0x25e: {  	v3 =	vadd.f32 v4, v3;
	_ =	sdelay $0x1  }
0x25f: {  	[tilespmem:s8+$0x0] =	vst v3  }
0x260: {  	v3 =	vld [tilespmem:s31+$0x18E00]  }
0x261: {  	v4 =	vld [tilespmem:s31+$0x18E10];
	_ =	sdelay $0x1  }
0x262: {  	v5 =	vld [tilespmem:s31+$0x18E20];
	_ =	sdelay $0x1  }
0x263: {  	v6 =	vld [tilespmem:s31+$0x18E30]  }
0x264: {  	v3 =	vmul.f32 v3, v7;
	v4 =	vmul.f32 v4, v0;
	_ =	sdelay $0x1  }
0x265: {  	v5 =	vmul.f32 v5, v2;
	v3 =	vadd.f32 v4, v3;
	_ =	sdelay $0x1  }
0x266: {  	v4 =	vmul.f32 v6, v1;
	v3 =	vadd.f32 v5, v3;
	_ =	sdelay $0x1  }
0x267: {  	v3 =	vadd.f32 v4, v3;
	_ =	sdelay $0x1  }
0x268: {  	[tilespmem:s8+$0x10] =	vst v3  }
0x269: {  	v3 =	vld [tilespmem:s31+$0x1AE00];
	_ =	sdelay $0x1  }
0x26a: {  	v6 =	vld [tilespmem:s31+$0x1AE10]  }
0x26b: {  	v5 =	vld [tilespmem:s31+$0x1AE20];
	_ =	sdelay $0x1  }
0x26c: {  	s9 =	simm.s32 $0x100;
	s26 =	simm.s32 $0x1CE30;
	v4 =	vld [tilespmem:s31+$0x1AE30];
	v3 =	vmul.f32 v3, v7  }
.LBB2_8:
0x26d: {  	p0 =	sne.s32 s9, $0x7F00  }
0x26e: {  	v0 =	vmul.f32 v6, v0;
	s8 =	sadd.s32 $0x60, s8;
	s28 =	smov.u32 s9;
	s9 =	sadd.s32 $0x100, s9  }
0x26f: {  	v2 =	vmul.f32 v5, v2  }
0x270: {  	v0 =	vadd.f32 v0, v3;
	_ =	sdelay $0x1  }
0x271: {  	v1 =	vmul.f32 v4, v1;
	v0 =	vadd.f32 v2, v0;
	_ =	sdelay $0x1  }
0x272: {  	v0 =	vadd.f32 v1, v0;
	_ =	sdelay $0x1  }
0x273: {  	s28 =	sshra.s32 s28, $0x2;
	[tilespmem:s26+$0x20] =	vst v0;
	s26 =	smov.u32 s8  }
0x274: {  	v0 =	vld [tilespmem:s28+$0xEE10]  }
0x275: {  	v4 =	vld [tilespmem:s28+$0x10E10]  }
0x276: {  	v3 =	vld [tilespmem:s28+$0xEE00]  }
0x277: {  	v5 =	vld [tilespmem:s28+$0x10E00]  }
0x278: {  	v6 =	vld [tilespmem:s28+$0x10E20]  }
0x279: {  	v2 =	vld [tilespmem:s28+$0xEE20]  }
0x27a: {  	v7 =	vld [tilespmem:s28+$0x10E30]  }
0x27b: {  	v1 =	vld [tilespmem:s28+$0xEE30]  }
0x27c: {  	v4 =	vmul.f32 v4, v0;
	v5 =	vmul.f32 v5, v3;
	_ =	sdelay $0x1  }
0x27d: {  	v4 =	vadd.f32 v4, v5;
	v5 =	vmul.f32 v6, v2;
	_ =	sdelay $0x1  }
0x27e: {  	v4 =	vadd.f32 v5, v4;
	v5 =	vmul.f32 v7, v1;
	_ =	sdelay $0x1  }
0x27f: {  	v4 =	vadd.f32 v5, v4;
	_ =	sdelay $0x1  }
0x280: {  	[tilespmem:s8+$0xFFFFFFD0] =	vst v4  }
0x281: {  	v4 =	vld [tilespmem:s28+$0x12E00]  }
0x282: {  	v5 =	vld [tilespmem:s28+$0x12E10];
	_ =	sdelay $0x1  }
0x283: {  	v6 =	vld [tilespmem:s28+$0x12E20];
	_ =	sdelay $0x1  }
0x284: {  	v4 =	vmul.f32 v4, v3;
	v7 =	vld [tilespmem:s28+$0x12E30]  }
0x285: {  	v5 =	vmul.f32 v5, v0;
	_ =	sdelay $0x1  }
0x286: {  	v4 =	vadd.f32 v5, v4;
	v5 =	vmul.f32 v6, v2;
	_ =	sdelay $0x1  }
0x287: {  	v4 =	vadd.f32 v5, v4;
	v5 =	vmul.f32 v7, v1;
	_ =	sdelay $0x1  }
0x288: {  	v4 =	vadd.f32 v5, v4;
	_ =	sdelay $0x1  }
0x289: {  	[tilespmem:s8+$0xFFFFFFE0] =	vst v4  }
0x28a: {  	v4 =	vld [tilespmem:s28+$0x14E00]  }
0x28b: {  	v5 =	vld [tilespmem:s28+$0x14E10];
	_ =	sdelay $0x1  }
0x28c: {  	v6 =	vld [tilespmem:s28+$0x14E20];
	_ =	sdelay $0x1  }
0x28d: {  	v4 =	vmul.f32 v4, v3;
	v7 =	vld [tilespmem:s28+$0x14E30]  }
0x28e: {  	v5 =	vmul.f32 v5, v0;
	_ =	sdelay $0x1  }
0x28f: {  	v4 =	vadd.f32 v5, v4;
	v5 =	vmul.f32 v6, v2;
	_ =	sdelay $0x1  }
0x290: {  	v4 =	vadd.f32 v5, v4;
	v5 =	vmul.f32 v7, v1;
	_ =	sdelay $0x1  }
0x291: {  	v4 =	vadd.f32 v5, v4;
	_ =	sdelay $0x1  }
0x292: {  	[tilespmem:s8+$0xFFFFFFF0] =	vst v4  }
0x293: {  	v4 =	vld [tilespmem:s28+$0x16E00]  }
0x294: {  	v5 =	vld [tilespmem:s28+$0x16E10]  }
0x295: {  	v6 =	vld [tilespmem:s28+$0x16E30]  }
0x296: {  	v7 =	vld [tilespmem:s28+$0x16E20];
	_ =	sdelay $0x1  }
0x297: {  	v4 =	vmul.f32 v4, v3  }
0x298: {  	v5 =	vmul.f32 v5, v0;
	_ =	sdelay $0x1  }
0x299: {  	v4 =	vadd.f32 v5, v4;
	v5 =	vmul.f32 v7, v2;
	_ =	sdelay $0x1  }
0x29a: {  	v4 =	vadd.f32 v5, v4;
	v5 =	vmul.f32 v6, v1;
	_ =	sdelay $0x1  }
0x29b: {  	v4 =	vadd.f32 v5, v4;
	_ =	sdelay $0x1  }
0x29c: {  	[tilespmem:s8+$0x0] =	vst v4  }
0x29d: {  	v4 =	vld [tilespmem:s28+$0x18E00]  }
0x29e: {  	v5 =	vld [tilespmem:s28+$0x18E10]  }
0x29f: {  	v6 =	vld [tilespmem:s28+$0x18E20]  }
0x2a0: {  	v7 =	vld [tilespmem:s28+$0x18E30];
	_ =	sdelay $0x1  }
0x2a1: {  	v4 =	vmul.f32 v4, v3  }
0x2a2: {  	v5 =	vmul.f32 v5, v0  }
0x2a3: {  	v6 =	vmul.f32 v6, v2  }
0x2a4: {  	v4 =	vadd.f32 v5, v4;
	_ =	sdelay $0x1  }
0x2a5: {  	v5 =	vmul.f32 v7, v1;
	v4 =	vadd.f32 v6, v4;
	_ =	sdelay $0x1  }
0x2a6: {  	v4 =	vadd.f32 v5, v4;
	_ =	sdelay $0x1  }
0x2a7: {  	[tilespmem:s8+$0x10] =	vst v4  }
0x2a8: {  	v7 =	vld [tilespmem:s28+$0x1AE00]  }
.Ltmp3:
0x2a9: {  	v6 =	vld [tilespmem:s28+$0x1AE10];
	(pc) =	sbr.rel @p0 .LBB2_8-.Ltmp3, $3  }
0x2aa: {  	v5 =	vld [tilespmem:s28+$0x1AE20]  }
0x2ab: {  	v4 =	vld [tilespmem:s28+$0x1AE30];
	_ =	sdelay $0x1  }
0x2ac: {  	v3 =	vmul.f32 v7, v3  }
0x2ad: {  	v0 =	vmul.f32 v6, v0;
	_ =	sdelay $0x1  }
0x2ae: {  	v2 =	vmul.f32 v5, v2;
	v0 =	vadd.f32 v0, v3;
	_ =	sdelay $0x1  }
0x2af: {  	v1 =	vmul.f32 v4, v1;
	v0 =	vadd.f32 v2, v0;
	_ =	sdelay $0x1  }
0x2b0: {  	s25 =	sadd.s32 $0x1, s25;
	v0 =	vadd.f32 v1, v0  }
0x2b1: {  	p0 =	sne.s32 s25, s16  }
.Ltmp4:
0x2b2: {  	[tilespmem:s26+$0x20] =	vst v0;
	(pc) =	sbr.rel @p0 .LBB2_1-.Ltmp4, $4  }
0x2b3: {  	[hbm4b:s15+s2] =	stream.linear.scatter [tilespmem:s23], [sflag:$0x3], $0x3000, $0x38;
	[tilespmem:$0x1FE00] =	vst v63  }
0x2b4: {  	_ =	swait.ge [sflag:s17], $0x3000  }
0x2b5: {  	[sflag:s17] =	ssyncset.done $0x0  }
0x2b6: {  	[sflag:s17] =	ssyncadd.s32 $0xFFFFD000  }
0x2b7: {  	_ =	sfence.sel $0x180000  }
0x2b8: {  	[bflag:$0x0] =	sbarrier.arrive $0xFFFF  }
0x2b9: {  	_ =	strace $0x90000047  }
0x2ba: {  	s0 =	stileid.u32;
	[bflag:$0x2] =	sbarrier.arrive $0xFFFF  }
0x2bb: {  	p0 =	sne.s32 s0, $0x0;
	s0 =	rddreg [dreg:$0x3]  }
0x2bc: {  	s0 =	sadd.s32 @!p0 $0x100000, s0  }
0x2bd: {  	[sflag:s0] =	ssyncadd.tile.s32 @!p0 $0x1;
	_ =	shalt  }
.Lfunc_end2:
_tile_overlayer_lowered:
.L_overlay_start_2:
0x2be: {  	(tag) =	ssettag $0x2  }
0x2bf: {  	s0 =	rddreg [dreg:$0x0];
	s2 =	stileid.u32  }
0x2c0: {  	s1 =	rddreg [dreg:$0x1];
	p0 =	sne.s32 s2, $0x0  }
0x2c1: {  	s3 =	rddreg [dreg:$0x2];
	[bflag:$0x3] =	sbarrier.arrive $0xFFFF;
	s2 =	simm.s32 @!p0 $0x1C03  }
0x2c2: {  	[timem:s3], [sflag:s2] =	dma.local @!p0 [hbm:s0], s1  }
0x2c3: {  	s0 =	simm.s32 @!p0 $0x3  }
0x2c4: {  	_ =	swait.ge @!p0 [sflag:s0], s1  }
0x2c5: {  	s1 =	ssub.s32 @!p0 $0x0, s1;
	[sflag:s0] =	ssyncset.done @!p0 $0x0  }
0x2c6: {  	[sflag:s0] =	ssyncadd.s32 @!p0 s1  }
0x2c7: {  	[bflag:$0x3] =	sbarrier.arrive $0xFFFF  }
0x2c8: {  	_ =	shalt  }

</sc_bundles>
